<compile_context>
chip_gen: v7x
topology: tpu7x:2x2x1
jax: 0.10.2.dev20260603
libtpu: 0.0.44.dev20260713+nightly
codegen_flags: <defaults>
</compile_context>

<pallas_src>
import functools

import jax
import jax.numpy as jnp
from jax import lax
from jax.experimental import pallas as pl
from jax.experimental.pallas import tpu as pltpu
from jax.experimental.pallas import tpu_sc as plsc

_N = 10000
_D = 128
_E = 320000
_CH = 128
_NCHUNK = 2560
_EPAD = _NCHUNK * _CH - _E
_NW = 32
_CPW = _NCHUNK // _NW
_NPAD = 10240
_TRASH = _N

_mesh = plsc.VectorSubcoreMesh(core_axis_name="c", subcore_axis_name="s")


_HPT = _NCHUNK // 16

@functools.partial(
    pl.kernel,
    out_type=jax.ShapeDtypeStruct((_NPAD,), jnp.float32),
    mesh=_mesh,
    scratch_types=[
        pltpu.VMEM((_HPT, _CH), jnp.int32),
        pltpu.VMEM((_HPT, _CH), jnp.int32),
        pltpu.VMEM((_CH,), jnp.float32),
        pltpu.VMEM((_NPAD // 32,), jnp.float32),
        pltpu.VMEM((_NPAD // 32,), jnp.float32),
        pltpu.VMEM((_NPAD // 32,), jnp.float32),
        pltpu.VMEM_SHARED((_NPAD,), jnp.float32),
        pltpu.VMEM_SHARED((_NPAD,), jnp.float32),
    ],
)
def _hist_kernel(src2d, dst2d, zeros_hist, ones_row, w_out,
                 src_v, dst_v, ones_v, cbuf, dbuf, wbuf, cnt_sh, deg_sh):
    c = lax.axis_index("c")
    t = lax.axis_index("s")
    zoff = pl.multiple_of(t * (_NPAD // 16), 8)
    pltpu.sync_copy(zeros_hist, cnt_sh.at[pl.ds(zoff, _NPAD // 16)])
    pltpu.sync_copy(zeros_hist, deg_sh.at[pl.ds(zoff, _NPAD // 16)])
    pltpu.sync_copy(ones_row, ones_v)

    cs = pl.multiple_of(t * _HPT, 8)
    pltpu.sync_copy(src2d.at[pl.ds(cs, _HPT)], src_v)
    pltpu.sync_copy(dst2d.at[pl.ds(cs, _HPT)], dst_v)
    plsc.subcore_barrier()

    def body(i, carry):
        pltpu.sync_copy(ones_v, deg_sh.at[src_v.at[i]], add=True)
        pltpu.sync_copy(ones_v, cnt_sh.at[dst_v.at[i]], add=True)
        return carry

    lax.fori_loop(0, _HPT, body, 0)
    plsc.subcore_barrier()

    nb = _NPAD // 32
    base = pl.multiple_of(c * (_NPAD // 2) + t * nb, 8)
    pltpu.sync_copy(cnt_sh.at[pl.ds(base, nb)], cbuf)
    pltpu.sync_copy(deg_sh.at[pl.ds(base, nb)], dbuf)

    def wbody(i, carry):
        cnt = cbuf[pl.ds(i * 16, 16)] + 1.0
        deg = dbuf[pl.ds(i * 16, 16)] + 1.0
        wbuf[pl.ds(i * 16, 16)] = 1.0 / (cnt * deg)
        return carry

    lax.fori_loop(0, nb // 16, wbody, 0)
    pltpu.sync_copy(wbuf, w_out.at[pl.ds(base, nb)])


_RPT = _NPAD // 16

@functools.partial(
    pl.kernel,
    out_type=(
        jax.ShapeDtypeStruct((_N, _D), jnp.float32),
        jax.ShapeDtypeStruct((_N, _D), jnp.float32),
    ),
    mesh=_mesh,
    scratch_types=[
        pltpu.VMEM((_CPW, _CH), jnp.int32),
        pltpu.VMEM((_CPW, _CH), jnp.int32),
        pltpu.VMEM((_CH, _D), jnp.float32),
        pltpu.VMEM_SHARED((_NPAD, _D), jnp.float32),
        pltpu.SemaphoreType.DMA,
    ],
)
def _agg_kernel(z_hbm, src2d, dst2d, zeros_rows, out0, out1,
                src_v, dst_v, rows_v, acc_sh, gsem):
    c = lax.axis_index("c")
    t = lax.axis_index("s")
    w = t * 2 + c

    zoff = pl.multiple_of(t * _RPT, 8)
    pltpu.sync_copy(zeros_rows, acc_sh.at[pl.ds(zoff, _RPT)])

    cs = pl.multiple_of(w * _CPW, 8)
    pltpu.sync_copy(src2d.at[pl.ds(cs, _CPW)], src_v)
    pltpu.sync_copy(dst2d.at[pl.ds(cs, _CPW)], dst_v)
    plsc.subcore_barrier()

    def body(i, carry):
        pltpu.async_copy(z_hbm.at[src_v.at[i]], rows_v, gsem).wait()
        pltpu.sync_copy(rows_v, acc_sh.at[dst_v.at[i]], add=True)
        return carry

    lax.fori_loop(0, _CPW, body, 0)
    plsc.subcore_barrier()

    nrows = jnp.minimum(_RPT, _N - t * _RPT)

    @pl.when(c == 0)
    def _():
        @pl.when(nrows == _RPT)
        def _():
            pltpu.sync_copy(acc_sh.at[pl.ds(zoff, _RPT)],
                            out0.at[pl.ds(zoff, _RPT)])

        @pl.when(nrows < _RPT)
        def _():
            pltpu.sync_copy(acc_sh.at[pl.ds(zoff, _N - 15 * _RPT)],
                            out0.at[pl.ds(zoff, _N - 15 * _RPT)])

    @pl.when(c == 1)
    def _():
        @pl.when(nrows == _RPT)
        def _():
            pltpu.sync_copy(acc_sh.at[pl.ds(zoff, _RPT)],
                            out1.at[pl.ds(zoff, _RPT)])

        @pl.when(nrows < _RPT)
        def _():
            pltpu.sync_copy(acc_sh.at[pl.ds(zoff, _N - 15 * _RPT)],
                            out1.at[pl.ds(zoff, _N - 15 * _RPT)])


_RB = 1000


def _l1_body(x_ref, W_ref, b_ref, o_ref):
    acc = jnp.dot(x_ref[...], W_ref[...], preferred_element_type=jnp.float32)
    o_ref[...] = jnp.maximum(acc + b_ref[...], 0.0)


def _layer1(x, W, b):
    return pl.pallas_call(
        _l1_body,
        grid=(_N // _RB,),
        in_specs=[
            pl.BlockSpec((_RB, _D), lambda i: (i, 0)),
            pl.BlockSpec((_D, _D), lambda i: (0, 0)),
            pl.BlockSpec((1, _D), lambda i: (0, 0)),
        ],
        out_specs=pl.BlockSpec((_RB, _D), lambda i: (i, 0)),
        out_shape=jax.ShapeDtypeStruct((_N, _D), jnp.float32),
    )(x, W, b.reshape(1, _D))


def _mid_body(z_ref, s0_ref, s1_ref, w_ref, W_ref, b_ref, o_ref):
    z = z_ref[...]
    zin = z - (s0_ref[...] + s1_ref[...] + z) * w_ref[...]
    acc = jnp.dot(zin, W_ref[...], preferred_element_type=jnp.float32)
    o_ref[...] = jnp.maximum(acc + b_ref[...], 0.0)


def _layer_mid(z, s0, s1, w, W, b):
    return pl.pallas_call(
        _mid_body,
        grid=(_N // _RB,),
        in_specs=[
            pl.BlockSpec((_RB, _D), lambda i: (i, 0)),
            pl.BlockSpec((_RB, _D), lambda i: (i, 0)),
            pl.BlockSpec((_RB, _D), lambda i: (i, 0)),
            pl.BlockSpec((_RB, 1), lambda i: (i, 0)),
            pl.BlockSpec((_D, _D), lambda i: (0, 0)),
            pl.BlockSpec((1, _D), lambda i: (0, 0)),
        ],
        out_specs=pl.BlockSpec((_RB, _D), lambda i: (i, 0)),
        out_shape=jax.ShapeDtypeStruct((_N, _D), jnp.float32),
    )(z, s0, s1, w, W, b.reshape(1, _D))


def kernel(x, edge_index, W1, b1, W2, b2, W3, b3):
    src = edge_index[0].astype(jnp.int32)
    dst = edge_index[1].astype(jnp.int32)
    trash = jnp.full((_EPAD,), _TRASH, jnp.int32)
    src_h = jnp.concatenate([src, trash]).reshape(_NCHUNK, _CH)
    dst_h = jnp.concatenate([dst, trash]).reshape(_NCHUNK, _CH)
    src_a = jnp.concatenate([src, jnp.zeros((_EPAD,), jnp.int32)]
                            ).reshape(_NCHUNK, _CH)

    zeros_hist = jnp.zeros((_NPAD // 16,), jnp.float32)
    ones_row = jnp.ones((_CH,), jnp.float32)
    zeros_rows = jnp.zeros((_RPT, _D), jnp.float32)

    w_pad = _hist_kernel(src_h, dst_h, zeros_hist, ones_row)
    w = w_pad[:_N].reshape(_N, 1)

    z1 = _layer1(x, W1, b1)
    s0, s1 = _agg_kernel(z1, src_a, dst_h, zeros_rows)
    z2 = _layer_mid(z1, s0, s1, w, W2, b2)
    s0, s1 = _agg_kernel(z2, src_a, dst_h, zeros_rows)
    z3 = _layer_mid(z2, s0, s1, w, W3, b3)
    return z3

# --- scband reference (transcript-rebuilt; emitter-appended) ---
"""Pipeline reference for scband-sup-gcl-gconv-70866960384012 (READ-ONLY COPY).

The authoritative reference and input builder live on the scoring server;
editing this copy changes nothing except your own understanding.
"""

import jax, jax.numpy as jnp
import numpy as np

N, D, H, E = 10000, 128, 128, 320000

def setup_inputs(seed: int = 0) -> dict:
    key = jax.random.key(seed)
    ks = jax.random.split(key, 8)
    x = jax.random.normal(ks[0], (N, D), dtype=jnp.float32)
    edge_index = jax.random.randint(ks[1], (2, E), 0, N)
    W1 = jax.random.normal(ks[2], (D, H), dtype=jnp.float32) / np.sqrt(D)
    b1 = jnp.zeros((H,), dtype=jnp.float32)
    W2 = jax.random.normal(ks[3], (H, H), dtype=jnp.float32) / np.sqrt(H)
    b2 = jnp.zeros((H,), dtype=jnp.float32)
    W3 = jax.random.normal(ks[4], (H, H), dtype=jnp.float32) / np.sqrt(H)
    b3 = jnp.zeros((H,), dtype=jnp.float32)
    return {"x": x, "edge_index": edge_index, "W1": W1, "b1": b1, "W2": W2, "b2": b2, "W3": W3, "b3": b3}

def _highpass(z, src, dst, n):
    # degree of edge_index[0] (source, incl. self loops)
    deg = jnp.zeros((n,), dtype=z.dtype).at[src].add(1.0)
    # mean aggregation of messages x_j = z[src] at dst
    s = jax.ops.segment_sum(z[src], dst, num_segments=n)
    cnt = jax.ops.segment_sum(jnp.ones((src.shape[0],), dtype=z.dtype), dst, num_segments=n)
    mean = s / jnp.clip(cnt, 1.0, None)[:, None]
    return z - mean / deg[:, None]

def reference(x, edge_index, W1, b1, W2, b2, W3, b3):
    n = x.shape[0]
    loop = jnp.arange(n, dtype=edge_index.dtype)
    src = jnp.concatenate([edge_index[0], loop])
    dst = jnp.concatenate([edge_index[1], loop])
    z = jax.nn.relu(x @ W1 + b1)
    z = _highpass(z, src, dst, n)
    z = jax.nn.relu(z @ W2 + b2)
    z = _highpass(z, src, dst, n)
    z = jax.nn.relu(z @ W3 + b3)
    return z

if __name__ == "__main__":
    import jax
    _d = setup_inputs()
    print(jax.jit(kernel)(*tuple(_d.values())))

</pallas_src>

<mosaic_0001>
#map = affine_map<(d0, d1) -> (0, 0)>
module attributes {stable_mosaic.version = 14 : i64} {
  func.func @_agg_kernel(%arg0: i32, %arg1: i32, %arg2: memref<10000x128xf32, #tpu.memory_space<hbm>>, %arg3: memref<2560x128xi32, #tpu.memory_space<hbm>>, %arg4: memref<2560x128xi32, #tpu.memory_space<hbm>>, %arg5: memref<640x128xf32, #tpu.memory_space<hbm>>, %arg6: memref<10000x128xf32, #tpu.memory_space<hbm>>, %arg7: memref<10000x128xf32, #tpu.memory_space<hbm>>, %arg8: memref<80x128xi32, #tpu.memory_space<vmem>>, %arg9: memref<80x128xi32, #tpu.memory_space<vmem>>, %arg10: memref<128x128xf32, #tpu.memory_space<vmem>>, %arg11: memref<10240x128xf32, #tpu.memory_space<vmem_shared>>, %arg12: memref<!tpu.dma_semaphore, #tpu.memory_space<semaphore_mem>>) attributes {dimension_semantics = [#tpu.dimension_semantics<core_parallel>, #tpu.dimension_semantics<subcore_parallel>], iteration_bounds = array<i64: 2, 16>, scalar_prefetch = 0 : i64, scratch_operands = 5 : i64, tpu.core_type = #tpu.core_type<sc_vector_subcore>, window_params = [{transform_indices = #map}, {transform_indices = #map}, {transform_indices = #map}, {transform_indices = #map}, {transform_indices = #map}, {transform_indices = #map}]} {
    %mul3A = arith.constant 2 : i32
    %mul3A_0 = arith.muli %arg1, %mul3A : i32
    %add3A = arith.addi %mul3A_0, %arg0 : i32
    %mul3A_1 = arith.constant 640 : i32
    %mul3A_2 = arith.muli %arg1, %mul3A_1 : i32
    %multiple_of3A = tpu.assume_multiple %mul3A_2, 8 : i32
    "tpu.region"() ({
      %run_scoped3A = tpu.sem_alloc : memref<!tpu.dma_semaphore, #tpu.memory_space<semaphore_mem>>
      %dma_start3A = arith.constant 0 : i32
      %dma_start3A_23 = tpu.memref_slice %arg11[%multiple_of3A, %dma_start3A] : memref<10240x128xf32, #tpu.memory_space<vmem_shared>> -> memref<640x128xf32, #tpu.memory_space<vmem_shared>>
      tpu.enqueue_dma source(%arg5 : memref<640x128xf32, #tpu.memory_space<hbm>>) target(%dma_start3A_23 : memref<640x128xf32, #tpu.memory_space<vmem_shared>>) target_semaphore(%run_scoped3A : memref<!tpu.dma_semaphore, #tpu.memory_space<semaphore_mem>>)
      %dma_wait3A = arith.constant 0 : i32
      %dma_wait3A_24 = tpu.memref_slice %arg11[%multiple_of3A, %dma_wait3A] : memref<10240x128xf32, #tpu.memory_space<vmem_shared>> -> memref<640x128xf32, #tpu.memory_space<vmem_shared>>
      tpu.wait_dma2 semaphore(%run_scoped3A : memref<!tpu.dma_semaphore, #tpu.memory_space<semaphore_mem>>) src(%arg5 : memref<640x128xf32, #tpu.memory_space<hbm>>) dst(%dma_wait3A_24 : memref<640x128xf32, #tpu.memory_space<vmem_shared>>)
      tpu.yield
    }) : () -> ()
    %mul3A_3 = arith.constant 80 : i32
    %mul3A_4 = arith.muli %add3A, %mul3A_3 : i32
    %multiple_of3A_5 = tpu.assume_multiple %mul3A_4, 8 : i32
    "tpu.region"() ({
      %run_scoped3A = tpu.sem_alloc : memref<!tpu.dma_semaphore, #tpu.memory_space<semaphore_mem>>
      %dma_start3A = arith.constant 0 : i32
      %dma_start3A_23 = tpu.memref_slice %arg3[%multiple_of3A_5, %dma_start3A] : memref<2560x128xi32, #tpu.memory_space<hbm>> -> memref<80x128xi32, #tpu.memory_space<hbm>>
      %dma_start3A_24 = arith.constant 0 : i32
      %dma_start3A_25 = tpu.memref_slice %arg3[%multiple_of3A_5, %dma_start3A_24] : memref<2560x128xi32, #tpu.memory_space<hbm>> -> memref<80x128xi32, #tpu.memory_space<hbm>>
      tpu.enqueue_dma source(%dma_start3A_25 : memref<80x128xi32, #tpu.memory_space<hbm>>) target(%arg8 : memref<80x128xi32, #tpu.memory_space<vmem>>) target_semaphore(%run_scoped3A : memref<!tpu.dma_semaphore, #tpu.memory_space<semaphore_mem>>)
      %dma_wait3A = arith.constant 0 : i32
      %dma_wait3A_26 = tpu.memref_slice %arg3[%multiple_of3A_5, %dma_wait3A] : memref<2560x128xi32, #tpu.memory_space<hbm>> -> memref<80x128xi32, #tpu.memory_space<hbm>>
      %dma_wait3A_27 = arith.constant 0 : i32
      %dma_wait3A_28 = tpu.memref_slice %arg3[%multiple_of3A_5, %dma_wait3A_27] : memref<2560x128xi32, #tpu.memory_space<hbm>> -> memref<80x128xi32, #tpu.memory_space<hbm>>
      tpu.wait_dma2 semaphore(%run_scoped3A : memref<!tpu.dma_semaphore, #tpu.memory_space<semaphore_mem>>) src(%dma_wait3A_28 : memref<80x128xi32, #tpu.memory_space<hbm>>) dst(%arg8 : memref<80x128xi32, #tpu.memory_space<vmem>>)
      tpu.yield
    }) : () -> ()
    "tpu.region"() ({
      %run_scoped3A = tpu.sem_alloc : memref<!tpu.dma_semaphore, #tpu.memory_space<semaphore_mem>>
      %dma_start3A = arith.constant 0 : i32
      %dma_start3A_23 = tpu.memref_slice %arg4[%multiple_of3A_5, %dma_start3A] : memref<2560x128xi32, #tpu.memory_space<hbm>> -> memref<80x128xi32, #tpu.memory_space<hbm>>
      %dma_start3A_24 = arith.constant 0 : i32
      %dma_start3A_25 = tpu.memref_slice %arg4[%multiple_of3A_5, %dma_start3A_24] : memref<2560x128xi32, #tpu.memory_space<hbm>> -> memref<80x128xi32, #tpu.memory_space<hbm>>
      tpu.enqueue_dma source(%dma_start3A_25 : memref<80x128xi32, #tpu.memory_space<hbm>>) target(%arg9 : memref<80x128xi32, #tpu.memory_space<vmem>>) target_semaphore(%run_scoped3A : memref<!tpu.dma_semaphore, #tpu.memory_space<semaphore_mem>>)
      %dma_wait3A = arith.constant 0 : i32
      %dma_wait3A_26 = tpu.memref_slice %arg4[%multiple_of3A_5, %dma_wait3A] : memref<2560x128xi32, #tpu.memory_space<hbm>> -> memref<80x128xi32, #tpu.memory_space<hbm>>
      %dma_wait3A_27 = arith.constant 0 : i32
      %dma_wait3A_28 = tpu.memref_slice %arg4[%multiple_of3A_5, %dma_wait3A_27] : memref<2560x128xi32, #tpu.memory_space<hbm>> -> memref<80x128xi32, #tpu.memory_space<hbm>>
      tpu.wait_dma2 semaphore(%run_scoped3A : memref<!tpu.dma_semaphore, #tpu.memory_space<semaphore_mem>>) src(%dma_wait3A_28 : memref<80x128xi32, #tpu.memory_space<hbm>>) dst(%arg9 : memref<80x128xi32, #tpu.memory_space<vmem>>)
      tpu.yield
    }) : () -> ()
    %barrier3A = arith.constant 0 : index
    tpu.barrier barrier_id(%barrier3A)
    %scan3A = arith.constant 0 : i32
    %scan3A_6 = arith.constant 0 : i32
    %scan3A_7 = arith.constant 80 : i32
    %scan3A_8 = arith.addi %scan3A_6, %scan3A_7 : i32
    %scan3A_9 = arith.constant 1 : i32
    scf.for %scan3A_23 = %scan3A_6 to %scan3A_8 step %scan3A_9  : i32 {
      %dma_start3A = arith.constant 0 : i32
      %dma_start3A_24 = tpu.memref_slice %arg8[%scan3A_23, %dma_start3A] : memref<80x128xi32, #tpu.memory_space<vmem>> -> memref<1x128xi32, #tpu.memory_space<vmem>>
      %dma_start3A_25 = tpu.memref_squeeze %dma_start3A_24 : memref<1x128xi32, #tpu.memory_space<vmem>> -> memref<128xi32, #tpu.memory_space<vmem>>
      %dma_start3A_26 = arith.constant 0 : i32
      %dma_start3A_27 = arith.constant 0 : i32
      %dma_start3A_28 = tpu.memref_slice %arg2[%dma_start3A_26, %dma_start3A_27] : memref<10000x128xf32, #tpu.memory_space<hbm>> -> memref<10000x128xf32, #tpu.memory_space<hbm>>
      tpu.enqueue_indirect_dma source(%dma_start3A_28 : memref<10000x128xf32, #tpu.memory_space<hbm>>) target(%arg10 : memref<128x128xf32, #tpu.memory_space<vmem>>) offsets(%dma_start3A_25 : memref<128xi32, #tpu.memory_space<vmem>>) semaphore(%arg12 : memref<!tpu.dma_semaphore, #tpu.memory_space<semaphore_mem>>)
      %dma_wait3A = arith.constant 0 : i32
      %dma_wait3A_29 = tpu.memref_slice %arg8[%scan3A_23, %dma_wait3A] : memref<80x128xi32, #tpu.memory_space<vmem>> -> memref<1x128xi32, #tpu.memory_space<vmem>>
      %dma_wait3A_30 = tpu.memref_squeeze %dma_wait3A_29 : memref<1x128xi32, #tpu.memory_space<vmem>> -> memref<128xi32, #tpu.memory_space<vmem>>
      %dma_wait3A_31 = arith.constant 0 : i32
      %dma_wait3A_32 = arith.constant 0 : i32
      %dma_wait3A_33 = tpu.memref_slice %arg2[%dma_wait3A_31, %dma_wait3A_32] : memref<10000x128xf32, #tpu.memory_space<hbm>> -> memref<10000x128xf32, #tpu.memory_space<hbm>>
      tpu.wait_indirect_dma semaphore(%arg12 : memref<!tpu.dma_semaphore, #tpu.memory_space<semaphore_mem>>) src(%dma_wait3A_33 : memref<10000x128xf32, #tpu.memory_space<hbm>>) dst(%arg10 : memref<128x128xf32, #tpu.memory_space<vmem>>)
      "tpu.region"() ({
        %run_scoped3A = tpu.sem_alloc : memref<!tpu.dma_semaphore, #tpu.memory_space<semaphore_mem>>
        %dma_start3A_34 = arith.constant 0 : i32
        %dma_start3A_35 = tpu.memref_slice %arg9[%scan3A_23, %dma_start3A_34] : memref<80x128xi32, #tpu.memory_space<vmem>> -> memref<1x128xi32, #tpu.memory_space<vmem>>
        %dma_start3A_36 = tpu.memref_squeeze %dma_start3A_35 : memref<1x128xi32, #tpu.memory_space<vmem>> -> memref<128xi32, #tpu.memory_space<vmem>>
        %dma_start3A_37 = arith.constant 0 : i32
        %dma_start3A_38 = arith.constant 0 : i32
        %dma_start3A_39 = tpu.memref_slice %arg11[%dma_start3A_37, %dma_start3A_38] : memref<10240x128xf32, #tpu.memory_space<vmem_shared>> -> memref<10240x128xf32, #tpu.memory_space<vmem_shared>>
        tpu.enqueue_indirect_dma source(%arg10 : memref<128x128xf32, #tpu.memory_space<vmem>>) target(%dma_start3A_39 : memref<10240x128xf32, #tpu.memory_space<vmem_shared>>) offsets(%dma_start3A_36 : memref<128xi32, #tpu.memory_space<vmem>>) semaphore(%run_scoped3A : memref<!tpu.dma_semaphore, #tpu.memory_space<semaphore_mem>>) {add = true}
        %dma_wait3A_40 = arith.constant 0 : i32
        %dma_wait3A_41 = tpu.memref_slice %arg9[%scan3A_23, %dma_wait3A_40] : memref<80x128xi32, #tpu.memory_space<vmem>> -> memref<1x128xi32, #tpu.memory_space<vmem>>
        %dma_wait3A_42 = tpu.memref_squeeze %dma_wait3A_41 : memref<1x128xi32, #tpu.memory_space<vmem>> -> memref<128xi32, #tpu.memory_space<vmem>>
        %dma_wait3A_43 = arith.constant 0 : i32
        %dma_wait3A_44 = arith.constant 0 : i32
        %dma_wait3A_45 = tpu.memref_slice %arg11[%dma_wait3A_43, %dma_wait3A_44] : memref<10240x128xf32, #tpu.memory_space<vmem_shared>> -> memref<10240x128xf32, #tpu.memory_space<vmem_shared>>
        tpu.wait_indirect_dma semaphore(%run_scoped3A : memref<!tpu.dma_semaphore, #tpu.memory_space<semaphore_mem>>) src(%arg10 : memref<128x128xf32, #tpu.memory_space<vmem>>) dst(%dma_wait3A_45 : memref<10240x128xf32, #tpu.memory_space<vmem_shared>>)
        tpu.yield
      }) : () -> ()
    }
    %scan3A_10 = arith.constant 80 : i32
    %barrier3A_11 = arith.constant 0 : index
    tpu.barrier barrier_id(%barrier3A_11)
    %mul3A_12 = arith.constant 640 : i32
    %mul3A_13 = arith.muli %arg1, %mul3A_12 : i32
    %sub3A = arith.constant 10000 : i32
    %sub3A_14 = arith.subi %sub3A, %mul3A_13 : i32
    %min3A = arith.constant 640 : i32
    %min3A_15 = arith.minsi %min3A, %sub3A_14 : i32
    %eq3A = arith.constant 0 : i32
    %eq3A_16 = arith.cmpi eq, %arg0, %eq3A : i32
    %convert_element_type3A = arith.extui %eq3A_16 : i1 to i32
    %cond3A = arith.constant 0 : i32
    %cond3A_17 = arith.cmpi ne, %convert_element_type3A, %cond3A : i32
    scf.if %cond3A_17 {
      %eq3A_23 = arith.constant 640 : i32
      %eq3A_24 = arith.cmpi eq, %min3A_15, %eq3A_23 : i32
      %convert_element_type3A_25 = arith.extui %eq3A_24 : i1 to i32
      %cond3A_26 = arith.constant 0 : i32
      %cond3A_27 = arith.cmpi ne, %convert_element_type3A_25, %cond3A_26 : i32
      scf.if %cond3A_27 {
        "tpu.region"() ({
          %run_scoped3A = tpu.sem_alloc : memref<!tpu.dma_semaphore, #tpu.memory_space<semaphore_mem>>
          %dma_start3A = arith.constant 0 : i32
          %dma_start3A_32 = tpu.memref_slice %arg6[%multiple_of3A, %dma_start3A] : memref<10000x128xf32, #tpu.memory_space<hbm>> -> memref<640x128xf32, #tpu.memory_space<hbm>>
          %dma_start3A_33 = arith.constant 0 : i32
          %dma_start3A_34 = tpu.memref_slice %arg11[%multiple_of3A, %dma_start3A_33] : memref<10240x128xf32, #tpu.memory_space<vmem_shared>> -> memref<640x128xf32, #tpu.memory_space<vmem_shared>>
          tpu.enqueue_dma source(%dma_start3A_34 : memref<640x128xf32, #tpu.memory_space<vmem_shared>>) target(%dma_start3A_32 : memref<640x128xf32, #tpu.memory_space<hbm>>) target_semaphore(%run_scoped3A : memref<!tpu.dma_semaphore, #tpu.memory_space<semaphore_mem>>)
          %dma_wait3A = arith.constant 0 : i32
          %dma_wait3A_35 = tpu.memref_slice %arg6[%multiple_of3A, %dma_wait3A] : memref<10000x128xf32, #tpu.memory_space<hbm>> -> memref<640x128xf32, #tpu.memory_space<hbm>>
          %dma_wait3A_36 = arith.constant 0 : i32
          %dma_wait3A_37 = tpu.memref_slice %arg11[%multiple_of3A, %dma_wait3A_36] : memref<10240x128xf32, #tpu.memory_space<vmem_shared>> -> memref<640x128xf32, #tpu.memory_space<vmem_shared>>
          tpu.wait_dma2 semaphore(%run_scoped3A : memref<!tpu.dma_semaphore, #tpu.memory_space<semaphore_mem>>) src(%dma_wait3A_37 : memref<640x128xf32, #tpu.memory_space<vmem_shared>>) dst(%dma_wait3A_35 : memref<640x128xf32, #tpu.memory_space<hbm>>)
          tpu.yield
        }) : () -> ()
      } else {
      }
      %lt3A = arith.constant 640 : i32
      %lt3A_28 = arith.cmpi slt, %min3A_15, %lt3A : i32
      %convert_element_type3A_29 = arith.extui %lt3A_28 : i1 to i32
      %cond3A_30 = arith.constant 0 : i32
      %cond3A_31 = arith.cmpi ne, %convert_element_type3A_29, %cond3A_30 : i32
      scf.if %cond3A_31 {
        "tpu.region"() ({
          %run_scoped3A = tpu.sem_alloc : memref<!tpu.dma_semaphore, #tpu.memory_space<semaphore_mem>>
          %dma_start3A = arith.constant 0 : i32
          %dma_start3A_32 = tpu.memref_slice %arg6[%multiple_of3A, %dma_start3A] : memref<10000x128xf32, #tpu.memory_space<hbm>> -> memref<400x128xf32, #tpu.memory_space<hbm>>
          %dma_start3A_33 = arith.constant 0 : i32
          %dma_start3A_34 = tpu.memref_slice %arg11[%multiple_of3A, %dma_start3A_33] : memref<10240x128xf32, #tpu.memory_space<vmem_shared>> -> memref<400x128xf32, #tpu.memory_space<vmem_shared>>
          tpu.enqueue_dma source(%dma_start3A_34 : memref<400x128xf32, #tpu.memory_space<vmem_shared>>) target(%dma_start3A_32 : memref<400x128xf32, #tpu.memory_space<hbm>>) target_semaphore(%run_scoped3A : memref<!tpu.dma_semaphore, #tpu.memory_space<semaphore_mem>>)
          %dma_wait3A = arith.constant 0 : i32
          %dma_wait3A_35 = tpu.memref_slice %arg6[%multiple_of3A, %dma_wait3A] : memref<10000x128xf32, #tpu.memory_space<hbm>> -> memref<400x128xf32, #tpu.memory_space<hbm>>
          %dma_wait3A_36 = arith.constant 0 : i32
          %dma_wait3A_37 = tpu.memref_slice %arg11[%multiple_of3A, %dma_wait3A_36] : memref<10240x128xf32, #tpu.memory_space<vmem_shared>> -> memref<400x128xf32, #tpu.memory_space<vmem_shared>>
          tpu.wait_dma2 semaphore(%run_scoped3A : memref<!tpu.dma_semaphore, #tpu.memory_space<semaphore_mem>>) src(%dma_wait3A_37 : memref<400x128xf32, #tpu.memory_space<vmem_shared>>) dst(%dma_wait3A_35 : memref<400x128xf32, #tpu.memory_space<hbm>>)
          tpu.yield
        }) : () -> ()
      } else {
      }
    } else {
    }
    %eq3A_18 = arith.constant 1 : i32
    %eq3A_19 = arith.cmpi eq, %arg0, %eq3A_18 : i32
    %convert_element_type3A_20 = arith.extui %eq3A_19 : i1 to i32
    %cond3A_21 = arith.constant 0 : i32
    %cond3A_22 = arith.cmpi ne, %convert_element_type3A_20, %cond3A_21 : i32
    scf.if %cond3A_22 {
      %eq3A_23 = arith.constant 640 : i32
      %eq3A_24 = arith.cmpi eq, %min3A_15, %eq3A_23 : i32
      %convert_element_type3A_25 = arith.extui %eq3A_24 : i1 to i32
      %cond3A_26 = arith.constant 0 : i32
      %cond3A_27 = arith.cmpi ne, %convert_element_type3A_25, %cond3A_26 : i32
      scf.if %cond3A_27 {
        "tpu.region"() ({
          %run_scoped3A = tpu.sem_alloc : memref<!tpu.dma_semaphore, #tpu.memory_space<semaphore_mem>>
          %dma_start3A = arith.constant 0 : i32
          %dma_start3A_32 = tpu.memref_slice %arg7[%multiple_of3A, %dma_start3A] : memref<10000x128xf32, #tpu.memory_space<hbm>> -> memref<640x128xf32, #tpu.memory_space<hbm>>
          %dma_start3A_33 = arith.constant 0 : i32
          %dma_start3A_34 = tpu.memref_slice %arg11[%multiple_of3A, %dma_start3A_33] : memref<10240x128xf32, #tpu.memory_space<vmem_shared>> -> memref<640x128xf32, #tpu.memory_space<vmem_shared>>
          tpu.enqueue_dma source(%dma_start3A_34 : memref<640x128xf32, #tpu.memory_space<vmem_shared>>) target(%dma_start3A_32 : memref<640x128xf32, #tpu.memory_space<hbm>>) target_semaphore(%run_scoped3A : memref<!tpu.dma_semaphore, #tpu.memory_space<semaphore_mem>>)
          %dma_wait3A = arith.constant 0 : i32
          %dma_wait3A_35 = tpu.memref_slice %arg7[%multiple_of3A, %dma_wait3A] : memref<10000x128xf32, #tpu.memory_space<hbm>> -> memref<640x128xf32, #tpu.memory_space<hbm>>
          %dma_wait3A_36 = arith.constant 0 : i32
          %dma_wait3A_37 = tpu.memref_slice %arg11[%multiple_of3A, %dma_wait3A_36] : memref<10240x128xf32, #tpu.memory_space<vmem_shared>> -> memref<640x128xf32, #tpu.memory_space<vmem_shared>>
          tpu.wait_dma2 semaphore(%run_scoped3A : memref<!tpu.dma_semaphore, #tpu.memory_space<semaphore_mem>>) src(%dma_wait3A_37 : memref<640x128xf32, #tpu.memory_space<vmem_shared>>) dst(%dma_wait3A_35 : memref<640x128xf32, #tpu.memory_space<hbm>>)
          tpu.yield
        }) : () -> ()
      } else {
      }
      %lt3A = arith.constant 640 : i32
      %lt3A_28 = arith.cmpi slt, %min3A_15, %lt3A : i32
      %convert_element_type3A_29 = arith.extui %lt3A_28 : i1 to i32
      %cond3A_30 = arith.constant 0 : i32
      %cond3A_31 = arith.cmpi ne, %convert_element_type3A_29, %cond3A_30 : i32
      scf.if %cond3A_31 {
        "tpu.region"() ({
          %run_scoped3A = tpu.sem_alloc : memref<!tpu.dma_semaphore, #tpu.memory_space<semaphore_mem>>
          %dma_start3A = arith.constant 0 : i32
          %dma_start3A_32 = tpu.memref_slice %arg7[%multiple_of3A, %dma_start3A] : memref<10000x128xf32, #tpu.memory_space<hbm>> -> memref<400x128xf32, #tpu.memory_space<hbm>>
          %dma_start3A_33 = arith.constant 0 : i32
          %dma_start3A_34 = tpu.memref_slice %arg11[%multiple_of3A, %dma_start3A_33] : memref<10240x128xf32, #tpu.memory_space<vmem_shared>> -> memref<400x128xf32, #tpu.memory_space<vmem_shared>>
          tpu.enqueue_dma source(%dma_start3A_34 : memref<400x128xf32, #tpu.memory_space<vmem_shared>>) target(%dma_start3A_32 : memref<400x128xf32, #tpu.memory_space<hbm>>) target_semaphore(%run_scoped3A : memref<!tpu.dma_semaphore, #tpu.memory_space<semaphore_mem>>)
          %dma_wait3A = arith.constant 0 : i32
          %dma_wait3A_35 = tpu.memref_slice %arg7[%multiple_of3A, %dma_wait3A] : memref<10000x128xf32, #tpu.memory_space<hbm>> -> memref<400x128xf32, #tpu.memory_space<hbm>>
          %dma_wait3A_36 = arith.constant 0 : i32
          %dma_wait3A_37 = tpu.memref_slice %arg11[%multiple_of3A, %dma_wait3A_36] : memref<10240x128xf32, #tpu.memory_space<vmem_shared>> -> memref<400x128xf32, #tpu.memory_space<vmem_shared>>
          tpu.wait_dma2 semaphore(%run_scoped3A : memref<!tpu.dma_semaphore, #tpu.memory_space<semaphore_mem>>) src(%dma_wait3A_37 : memref<400x128xf32, #tpu.memory_space<vmem_shared>>) dst(%dma_wait3A_35 : memref<400x128xf32, #tpu.memory_space<hbm>>)
          tpu.yield
        }) : () -> ()
      } else {
      }
    } else {
    }
    return
  }
}

#map = affine_map<(d0, d1) -> (0, 0)>
module attributes {stable_mosaic.version = 14 : i64} {
  func.func @_agg_kernel(%arg0: i32, %arg1: i32, %arg2: memref<10000x128xf32, #tpu.memory_space<hbm>>, %arg3: memref<2560x128xi32, #tpu.memory_space<hbm>>, %arg4: memref<2560x128xi32, #tpu.memory_space<hbm>>, %arg5: memref<640x128xf32, #tpu.memory_space<hbm>>, %arg6: memref<10000x128xf32, #tpu.memory_space<hbm>>, %arg7: memref<10000x128xf32, #tpu.memory_space<hbm>>, %arg8: memref<80x128xi32, #tpu.memory_space<vmem>>, %arg9: memref<80x128xi32, #tpu.memory_space<vmem>>, %arg10: memref<128x128xf32, #tpu.memory_space<vmem>>, %arg11: memref<10240x128xf32, #tpu.memory_space<vmem_shared>>, %arg12: memref<!tpu.dma_semaphore, #tpu.memory_space<semaphore_mem>>) attributes {dimension_semantics = [#tpu.dimension_semantics<core_parallel>, #tpu.dimension_semantics<subcore_parallel>], iteration_bounds = array<i64: 2, 16>, scalar_prefetch = 0 : i64, scratch_operands = 5 : i64, tpu.core_type = #tpu.core_type<sc_vector_subcore>, window_params = [{transform_indices = #map}, {transform_indices = #map}, {transform_indices = #map}, {transform_indices = #map}, {transform_indices = #map}, {transform_indices = #map}]} {
    %mul3A = arith.constant 2 : i32
    %mul3A_0 = arith.muli %arg1, %mul3A : i32
    %add3A = arith.addi %mul3A_0, %arg0 : i32
    %mul3A_1 = arith.constant 640 : i32
    %mul3A_2 = arith.muli %arg1, %mul3A_1 : i32
    %multiple_of3A = tpu.assume_multiple %mul3A_2, 8 : i32
    "tpu.region"() ({
      %run_scoped3A = tpu.sem_alloc : memref<!tpu.dma_semaphore, #tpu.memory_space<semaphore_mem>>
      %dma_start3A = arith.constant 0 : i32
      %dma_start3A_23 = tpu.memref_slice %arg11[%multiple_of3A, %dma_start3A] : memref<10240x128xf32, #tpu.memory_space<vmem_shared>> -> memref<640x128xf32, #tpu.memory_space<vmem_shared>>
      tpu.enqueue_dma source(%arg5 : memref<640x128xf32, #tpu.memory_space<hbm>>) target(%dma_start3A_23 : memref<640x128xf32, #tpu.memory_space<vmem_shared>>) target_semaphore(%run_scoped3A : memref<!tpu.dma_semaphore, #tpu.memory_space<semaphore_mem>>)
      %dma_wait3A = arith.constant 0 : i32
      %dma_wait3A_24 = tpu.memref_slice %arg11[%multiple_of3A, %dma_wait3A] : memref<10240x128xf32, #tpu.memory_space<vmem_shared>> -> memref<640x128xf32, #tpu.memory_space<vmem_shared>>
      tpu.wait_dma2 semaphore(%run_scoped3A : memref<!tpu.dma_semaphore, #tpu.memory_space<semaphore_mem>>) src(%arg5 : memref<640x128xf32, #tpu.memory_space<hbm>>) dst(%dma_wait3A_24 : memref<640x128xf32, #tpu.memory_space<vmem_shared>>)
      tpu.yield
    }) : () -> ()
    %mul3A_3 = arith.constant 80 : i32
    %mul3A_4 = arith.muli %add3A, %mul3A_3 : i32
    %multiple_of3A_5 = tpu.assume_multiple %mul3A_4, 8 : i32
    "tpu.region"() ({
      %run_scoped3A = tpu.sem_alloc : memref<!tpu.dma_semaphore, #tpu.memory_space<semaphore_mem>>
      %dma_start3A = arith.constant 0 : i32
      %dma_start3A_23 = tpu.memref_slice %arg3[%multiple_of3A_5, %dma_start3A] : memref<2560x128xi32, #tpu.memory_space<hbm>> -> memref<80x128xi32, #tpu.memory_space<hbm>>
      %dma_start3A_24 = arith.constant 0 : i32
      %dma_start3A_25 = tpu.memref_slice %arg3[%multiple_of3A_5, %dma_start3A_24] : memref<2560x128xi32, #tpu.memory_space<hbm>> -> memref<80x128xi32, #tpu.memory_space<hbm>>
      tpu.enqueue_dma source(%dma_start3A_25 : memref<80x128xi32, #tpu.memory_space<hbm>>) target(%arg8 : memref<80x128xi32, #tpu.memory_space<vmem>>) target_semaphore(%run_scoped3A : memref<!tpu.dma_semaphore, #tpu.memory_space<semaphore_mem>>)
      %dma_wait3A = arith.constant 0 : i32
      %dma_wait3A_26 = tpu.memref_slice %arg3[%multiple_of3A_5, %dma_wait3A] : memref<2560x128xi32, #tpu.memory_space<hbm>> -> memref<80x128xi32, #tpu.memory_space<hbm>>
      %dma_wait3A_27 = arith.constant 0 : i32
      %dma_wait3A_28 = tpu.memref_slice %arg3[%multiple_of3A_5, %dma_wait3A_27] : memref<2560x128xi32, #tpu.memory_space<hbm>> -> memref<80x128xi32, #tpu.memory_space<hbm>>
      tpu.wait_dma2 semaphore(%run_scoped3A : memref<!tpu.dma_semaphore, #tpu.memory_space<semaphore_mem>>) src(%dma_wait3A_28 : memref<80x128xi32, #tpu.memory_space<hbm>>) dst(%arg8 : memref<80x128xi32, #tpu.memory_space<vmem>>)
      tpu.yield
    }) : () -> ()
    "tpu.region"() ({
      %run_scoped3A = tpu.sem_alloc : memref<!tpu.dma_semaphore, #tpu.memory_space<semaphore_mem>>
      %dma_start3A = arith.constant 0 : i32
      %dma_start3A_23 = tpu.memref_slice %arg4[%multiple_of3A_5, %dma_start3A] : memref<2560x128xi32, #tpu.memory_space<hbm>> -> memref<80x128xi32, #tpu.memory_space<hbm>>
      %dma_start3A_24 = arith.constant 0 : i32
      %dma_start3A_25 = tpu.memref_slice %arg4[%multiple_of3A_5, %dma_start3A_24] : memref<2560x128xi32, #tpu.memory_space<hbm>> -> memref<80x128xi32, #tpu.memory_space<hbm>>
      tpu.enqueue_dma source(%dma_start3A_25 : memref<80x128xi32, #tpu.memory_space<hbm>>) target(%arg9 : memref<80x128xi32, #tpu.memory_space<vmem>>) target_semaphore(%run_scoped3A : memref<!tpu.dma_semaphore, #tpu.memory_space<semaphore_mem>>)
      %dma_wait3A = arith.constant 0 : i32
      %dma_wait3A_26 = tpu.memref_slice %arg4[%multiple_of3A_5, %dma_wait3A] : memref<2560x128xi32, #tpu.memory_space<hbm>> -> memref<80x128xi32, #tpu.memory_space<hbm>>
      %dma_wait3A_27 = arith.constant 0 : i32
      %dma_wait3A_28 = tpu.memref_slice %arg4[%multiple_of3A_5, %dma_wait3A_27] : memref<2560x128xi32, #tpu.memory_space<hbm>> -> memref<80x128xi32, #tpu.memory_space<hbm>>
      tpu.wait_dma2 semaphore(%run_scoped3A : memref<!tpu.dma_semaphore, #tpu.memory_space<semaphore_mem>>) src(%dma_wait3A_28 : memref<80x128xi32, #tpu.memory_space<hbm>>) dst(%arg9 : memref<80x128xi32, #tpu.memory_space<vmem>>)
      tpu.yield
    }) : () -> ()
    %barrier3A = arith.constant 0 : index
    tpu.barrier barrier_id(%barrier3A)
    %scan3A = arith.constant 0 : i32
    %scan3A_6 = arith.constant 0 : i32
    %scan3A_7 = arith.constant 80 : i32
    %scan3A_8 = arith.addi %scan3A_6, %scan3A_7 : i32
    %scan3A_9 = arith.constant 1 : i32
    scf.for %scan3A_23 = %scan3A_6 to %scan3A_8 step %scan3A_9  : i32 {
      %dma_start3A = arith.constant 0 : i32
      %dma_start3A_24 = tpu.memref_slice %arg8[%scan3A_23, %dma_start3A] : memref<80x128xi32, #tpu.memory_space<vmem>> -> memref<1x128xi32, #tpu.memory_space<vmem>>
      %dma_start3A_25 = tpu.memref_squeeze %dma_start3A_24 : memref<1x128xi32, #tpu.memory_space<vmem>> -> memref<128xi32, #tpu.memory_space<vmem>>
      %dma_start3A_26 = arith.constant 0 : i32
      %dma_start3A_27 = arith.constant 0 : i32
      %dma_start3A_28 = tpu.memref_slice %arg2[%dma_start3A_26, %dma_start3A_27] : memref<10000x128xf32, #tpu.memory_space<hbm>> -> memref<10000x128xf32, #tpu.memory_space<hbm>>
      tpu.enqueue_indirect_dma source(%dma_start3A_28 : memref<10000x128xf32, #tpu.memory_space<hbm>>) target(%arg10 : memref<128x128xf32, #tpu.memory_space<vmem>>) offsets(%dma_start3A_25 : memref<128xi32, #tpu.memory_space<vmem>>) semaphore(%arg12 : memref<!tpu.dma_semaphore, #tpu.memory_space<semaphore_mem>>)
      %dma_wait3A = arith.constant 0 : i32
      %dma_wait3A_29 = tpu.memref_slice %arg8[%scan3A_23, %dma_wait3A] : memref<80x128xi32, #tpu.memory_space<vmem>> -> memref<1x128xi32, #tpu.memory_space<vmem>>
      %dma_wait3A_30 = tpu.memref_squeeze %dma_wait3A_29 : memref<1x128xi32, #tpu.memory_space<vmem>> -> memref<128xi32, #tpu.memory_space<vmem>>
      %dma_wait3A_31 = arith.constant 0 : i32
      %dma_wait3A_32 = arith.constant 0 : i32
      %dma_wait3A_33 = tpu.memref_slice %arg2[%dma_wait3A_31, %dma_wait3A_32] : memref<10000x128xf32, #tpu.memory_space<hbm>> -> memref<10000x128xf32, #tpu.memory_space<hbm>>
      tpu.wait_indirect_dma semaphore(%arg12 : memref<!tpu.dma_semaphore, #tpu.memory_space<semaphore_mem>>) src(%dma_wait3A_33 : memref<10000x128xf32, #tpu.memory_space<hbm>>) dst(%arg10 : memref<128x128xf32, #tpu.memory_space<vmem>>)
      "tpu.region"() ({
        %run_scoped3A = tpu.sem_alloc : memref<!tpu.dma_semaphore, #tpu.memory_space<semaphore_mem>>
        %dma_start3A_34 = arith.constant 0 : i32
        %dma_start3A_35 = tpu.memref_slice %arg9[%scan3A_23, %dma_start3A_34] : memref<80x128xi32, #tpu.memory_space<vmem>> -> memref<1x128xi32, #tpu.memory_space<vmem>>
        %dma_start3A_36 = tpu.memref_squeeze %dma_start3A_35 : memref<1x128xi32, #tpu.memory_space<vmem>> -> memref<128xi32, #tpu.memory_space<vmem>>
        %dma_start3A_37 = arith.constant 0 : i32
        %dma_start3A_38 = arith.constant 0 : i32
        %dma_start3A_39 = tpu.memref_slice %arg11[%dma_start3A_37, %dma_start3A_38] : memref<10240x128xf32, #tpu.memory_space<vmem_shared>> -> memref<10240x128xf32, #tpu.memory_space<vmem_shared>>
        tpu.enqueue_indirect_dma source(%arg10 : memref<128x128xf32, #tpu.memory_space<vmem>>) target(%dma_start3A_39 : memref<10240x128xf32, #tpu.memory_space<vmem_shared>>) offsets(%dma_start3A_36 : memref<128xi32, #tpu.memory_space<vmem>>) semaphore(%run_scoped3A : memref<!tpu.dma_semaphore, #tpu.memory_space<semaphore_mem>>) {add = true}
        %dma_wait3A_40 = arith.constant 0 : i32
        %dma_wait3A_41 = tpu.memref_slice %arg9[%scan3A_23, %dma_wait3A_40] : memref<80x128xi32, #tpu.memory_space<vmem>> -> memref<1x128xi32, #tpu.memory_space<vmem>>
        %dma_wait3A_42 = tpu.memref_squeeze %dma_wait3A_41 : memref<1x128xi32, #tpu.memory_space<vmem>> -> memref<128xi32, #tpu.memory_space<vmem>>
        %dma_wait3A_43 = arith.constant 0 : i32
        %dma_wait3A_44 = arith.constant 0 : i32
        %dma_wait3A_45 = tpu.memref_slice %arg11[%dma_wait3A_43, %dma_wait3A_44] : memref<10240x128xf32, #tpu.memory_space<vmem_shared>> -> memref<10240x128xf32, #tpu.memory_space<vmem_shared>>
        tpu.wait_indirect_dma semaphore(%run_scoped3A : memref<!tpu.dma_semaphore, #tpu.memory_space<semaphore_mem>>) src(%arg10 : memref<128x128xf32, #tpu.memory_space<vmem>>) dst(%dma_wait3A_45 : memref<10240x128xf32, #tpu.memory_space<vmem_shared>>)
        tpu.yield
      }) : () -> ()
    }
    %scan3A_10 = arith.constant 80 : i32
    %barrier3A_11 = arith.constant 0 : index
    tpu.barrier barrier_id(%barrier3A_11)
    %mul3A_12 = arith.constant 640 : i32
    %mul3A_13 = arith.muli %arg1, %mul3A_12 : i32
    %sub3A = arith.constant 10000 : i32
    %sub3A_14 = arith.subi %sub3A, %mul3A_13 : i32
    %min3A = arith.constant 640 : i32
    %min3A_15 = arith.minsi %min3A, %sub3A_14 : i32
    %eq3A = arith.constant 0 : i32
    %eq3A_16 = arith.cmpi eq, %arg0, %eq3A : i32
    %convert_element_type3A = arith.extui %eq3A_16 : i1 to i32
    %cond3A = arith.constant 0 : i32
    %cond3A_17 = arith.cmpi ne, %convert_element_type3A, %cond3A : i32
    scf.if %cond3A_17 {
      %eq3A_23 = arith.constant 640 : i32
      %eq3A_24 = arith.cmpi eq, %min3A_15, %eq3A_23 : i32
      %convert_element_type3A_25 = arith.extui %eq3A_24 : i1 to i32
      %cond3A_26 = arith.constant 0 : i32
      %cond3A_27 = arith.cmpi ne, %convert_element_type3A_25, %cond3A_26 : i32
      scf.if %cond3A_27 {
        "tpu.region"() ({
          %run_scoped3A = tpu.sem_alloc : memref<!tpu.dma_semaphore, #tpu.memory_space<semaphore_mem>>
          %dma_start3A = arith.constant 0 : i32
          %dma_start3A_32 = tpu.memref_slice %arg6[%multiple_of3A, %dma_start3A] : memref<10000x128xf32, #tpu.memory_space<hbm>> -> memref<640x128xf32, #tpu.memory_space<hbm>>
          %dma_start3A_33 = arith.constant 0 : i32
          %dma_start3A_34 = tpu.memref_slice %arg11[%multiple_of3A, %dma_start3A_33] : memref<10240x128xf32, #tpu.memory_space<vmem_shared>> -> memref<640x128xf32, #tpu.memory_space<vmem_shared>>
          tpu.enqueue_dma source(%dma_start3A_34 : memref<640x128xf32, #tpu.memory_space<vmem_shared>>) target(%dma_start3A_32 : memref<640x128xf32, #tpu.memory_space<hbm>>) target_semaphore(%run_scoped3A : memref<!tpu.dma_semaphore, #tpu.memory_space<semaphore_mem>>)
          %dma_wait3A = arith.constant 0 : i32
          %dma_wait3A_35 = tpu.memref_slice %arg6[%multiple_of3A, %dma_wait3A] : memref<10000x128xf32, #tpu.memory_space<hbm>> -> memref<640x128xf32, #tpu.memory_space<hbm>>
          %dma_wait3A_36 = arith.constant 0 : i32
          %dma_wait3A_37 = tpu.memref_slice %arg11[%multiple_of3A, %dma_wait3A_36] : memref<10240x128xf32, #tpu.memory_space<vmem_shared>> -> memref<640x128xf32, #tpu.memory_space<vmem_shared>>
          tpu.wait_dma2 semaphore(%run_scoped3A : memref<!tpu.dma_semaphore, #tpu.memory_space<semaphore_mem>>) src(%dma_wait3A_37 : memref<640x128xf32, #tpu.memory_space<vmem_shared>>) dst(%dma_wait3A_35 : memref<640x128xf32, #tpu.memory_space<hbm>>)
          tpu.yield
        }) : () -> ()
      } else {
      }
      %lt3A = arith.constant 640 : i32
      %lt3A_28 = arith.cmpi slt, %min3A_15, %lt3A : i32
      %convert_element_type3A_29 = arith.extui %lt3A_28 : i1 to i32
      %cond3A_30 = arith.constant 0 : i32
      %cond3A_31 = arith.cmpi ne, %convert_element_type3A_29, %cond3A_30 : i32
      scf.if %cond3A_31 {
        "tpu.region"() ({
          %run_scoped3A = tpu.sem_alloc : memref<!tpu.dma_semaphore, #tpu.memory_space<semaphore_mem>>
          %dma_start3A = arith.constant 0 : i32
          %dma_start3A_32 = tpu.memref_slice %arg6[%multiple_of3A, %dma_start3A] : memref<10000x128xf32, #tpu.memory_space<hbm>> -> memref<400x128xf32, #tpu.memory_space<hbm>>
          %dma_start3A_33 = arith.constant 0 : i32
          %dma_start3A_34 = tpu.memref_slice %arg11[%multiple_of3A, %dma_start3A_33] : memref<10240x128xf32, #tpu.memory_space<vmem_shared>> -> memref<400x128xf32, #tpu.memory_space<vmem_shared>>
          tpu.enqueue_dma source(%dma_start3A_34 : memref<400x128xf32, #tpu.memory_space<vmem_shared>>) target(%dma_start3A_32 : memref<400x128xf32, #tpu.memory_space<hbm>>) target_semaphore(%run_scoped3A : memref<!tpu.dma_semaphore, #tpu.memory_space<semaphore_mem>>)
          %dma_wait3A = arith.constant 0 : i32
          %dma_wait3A_35 = tpu.memref_slice %arg6[%multiple_of3A, %dma_wait3A] : memref<10000x128xf32, #tpu.memory_space<hbm>> -> memref<400x128xf32, #tpu.memory_space<hbm>>
          %dma_wait3A_36 = arith.constant 0 : i32
          %dma_wait3A_37 = tpu.memref_slice %arg11[%multiple_of3A, %dma_wait3A_36] : memref<10240x128xf32, #tpu.memory_space<vmem_shared>> -> memref<400x128xf32, #tpu.memory_space<vmem_shared>>
          tpu.wait_dma2 semaphore(%run_scoped3A : memref<!tpu.dma_semaphore, #tpu.memory_space<semaphore_mem>>) src(%dma_wait3A_37 : memref<400x128xf32, #tpu.memory_space<vmem_shared>>) dst(%dma_wait3A_35 : memref<400x128xf32, #tpu.memory_space<hbm>>)
          tpu.yield
        }) : () -> ()
      } else {
      }
    } else {
    }
    %eq3A_18 = arith.constant 1 : i32
    %eq3A_19 = arith.cmpi eq, %arg0, %eq3A_18 : i32
    %convert_element_type3A_20 = arith.extui %eq3A_19 : i1 to i32
    %cond3A_21 = arith.constant 0 : i32
    %cond3A_22 = arith.cmpi ne, %convert_element_type3A_20, %cond3A_21 : i32
    scf.if %cond3A_22 {
      %eq3A_23 = arith.constant 640 : i32
      %eq3A_24 = arith.cmpi eq, %min3A_15, %eq3A_23 : i32
      %convert_element_type3A_25 = arith.extui %eq3A_24 : i1 to i32
      %cond3A_26 = arith.constant 0 : i32
      %cond3A_27 = arith.cmpi ne, %convert_element_type3A_25, %cond3A_26 : i32
      scf.if %cond3A_27 {
        "tpu.region"() ({
          %run_scoped3A = tpu.sem_alloc : memref<!tpu.dma_semaphore, #tpu.memory_space<semaphore_mem>>
          %dma_start3A = arith.constant 0 : i32
          %dma_start3A_32 = tpu.memref_slice %arg7[%multiple_of3A, %dma_start3A] : memref<10000x128xf32, #tpu.memory_space<hbm>> -> memref<640x128xf32, #tpu.memory_space<hbm>>
          %dma_start3A_33 = arith.constant 0 : i32
          %dma_start3A_34 = tpu.memref_slice %arg11[%multiple_of3A, %dma_start3A_33] : memref<10240x128xf32, #tpu.memory_space<vmem_shared>> -> memref<640x128xf32, #tpu.memory_space<vmem_shared>>
          tpu.enqueue_dma source(%dma_start3A_34 : memref<640x128xf32, #tpu.memory_space<vmem_shared>>) target(%dma_start3A_32 : memref<640x128xf32, #tpu.memory_space<hbm>>) target_semaphore(%run_scoped3A : memref<!tpu.dma_semaphore, #tpu.memory_space<semaphore_mem>>)
          %dma_wait3A = arith.constant 0 : i32
          %dma_wait3A_35 = tpu.memref_slice %arg7[%multiple_of3A, %dma_wait3A] : memref<10000x128xf32, #tpu.memory_space<hbm>> -> memref<640x128xf32, #tpu.memory_space<hbm>>
          %dma_wait3A_36 = arith.constant 0 : i32
          %dma_wait3A_37 = tpu.memref_slice %arg11[%multiple_of3A, %dma_wait3A_36] : memref<10240x128xf32, #tpu.memory_space<vmem_shared>> -> memref<640x128xf32, #tpu.memory_space<vmem_shared>>
          tpu.wait_dma2 semaphore(%run_scoped3A : memref<!tpu.dma_semaphore, #tpu.memory_space<semaphore_mem>>) src(%dma_wait3A_37 : memref<640x128xf32, #tpu.memory_space<vmem_shared>>) dst(%dma_wait3A_35 : memref<640x128xf32, #tpu.memory_space<hbm>>)
          tpu.yield
        }) : () -> ()
      } else {
      }
      %lt3A = arith.constant 640 : i32
      %lt3A_28 = arith.cmpi slt, %min3A_15, %lt3A : i32
      %convert_element_type3A_29 = arith.extui %lt3A_28 : i1 to i32
      %cond3A_30 = arith.constant 0 : i32
      %cond3A_31 = arith.cmpi ne, %convert_element_type3A_29, %cond3A_30 : i32
      scf.if %cond3A_31 {
        "tpu.region"() ({
          %run_scoped3A = tpu.sem_alloc : memref<!tpu.dma_semaphore, #tpu.memory_space<semaphore_mem>>
          %dma_start3A = arith.constant 0 : i32
          %dma_start3A_32 = tpu.memref_slice %arg7[%multiple_of3A, %dma_start3A] : memref<10000x128xf32, #tpu.memory_space<hbm>> -> memref<400x128xf32, #tpu.memory_space<hbm>>
          %dma_start3A_33 = arith.constant 0 : i32
          %dma_start3A_34 = tpu.memref_slice %arg11[%multiple_of3A, %dma_start3A_33] : memref<10240x128xf32, #tpu.memory_space<vmem_shared>> -> memref<400x128xf32, #tpu.memory_space<vmem_shared>>
          tpu.enqueue_dma source(%dma_start3A_34 : memref<400x128xf32, #tpu.memory_space<vmem_shared>>) target(%dma_start3A_32 : memref<400x128xf32, #tpu.memory_space<hbm>>) target_semaphore(%run_scoped3A : memref<!tpu.dma_semaphore, #tpu.memory_space<semaphore_mem>>)
          %dma_wait3A = arith.constant 0 : i32
          %dma_wait3A_35 = tpu.memref_slice %arg7[%multiple_of3A, %dma_wait3A] : memref<10000x128xf32, #tpu.memory_space<hbm>> -> memref<400x128xf32, #tpu.memory_space<hbm>>
          %dma_wait3A_36 = arith.constant 0 : i32
          %dma_wait3A_37 = tpu.memref_slice %arg11[%multiple_of3A, %dma_wait3A_36] : memref<10240x128xf32, #tpu.memory_space<vmem_shared>> -> memref<400x128xf32, #tpu.memory_space<vmem_shared>>
          tpu.wait_dma2 semaphore(%run_scoped3A : memref<!tpu.dma_semaphore, #tpu.memory_space<semaphore_mem>>) src(%dma_wait3A_37 : memref<400x128xf32, #tpu.memory_space<vmem_shared>>) dst(%dma_wait3A_35 : memref<400x128xf32, #tpu.memory_space<hbm>>)
          tpu.yield
        }) : () -> ()
      } else {
      }
    } else {
    }
    return
  }
}

#map = affine_map<(d0, d1) -> (0, 0)>
#map1 = affine_map<(d0, d1) -> (0)>
module attributes {stable_mosaic.version = 14 : i64} {
  func.func @_hist_kernel(%arg0: i32, %arg1: i32, %arg2: memref<2560x128xi32, #tpu.memory_space<hbm>>, %arg3: memref<2560x128xi32, #tpu.memory_space<hbm>>, %arg4: memref<640xf32, #tpu.memory_space<hbm>>, %arg5: memref<128xf32, #tpu.memory_space<hbm>>, %arg6: memref<10240xf32, #tpu.memory_space<hbm>>, %arg7: memref<160x128xi32, #tpu.memory_space<vmem>>, %arg8: memref<160x128xi32, #tpu.memory_space<vmem>>, %arg9: memref<128xf32, #tpu.memory_space<vmem>>, %arg10: memref<320xf32, #tpu.memory_space<vmem>>, %arg11: memref<320xf32, #tpu.memory_space<vmem>>, %arg12: memref<320xf32, #tpu.memory_space<vmem>>, %arg13: memref<10240xf32, #tpu.memory_space<vmem_shared>>, %arg14: memref<10240xf32, #tpu.memory_space<vmem_shared>>) attributes {dimension_semantics = [#tpu.dimension_semantics<core_parallel>, #tpu.dimension_semantics<subcore_parallel>], iteration_bounds = array<i64: 2, 16>, scalar_prefetch = 0 : i64, scratch_operands = 8 : i64, tpu.core_type = #tpu.core_type<sc_vector_subcore>, window_params = [{transform_indices = #map}, {transform_indices = #map}, {transform_indices = #map1}, {transform_indices = #map1}, {transform_indices = #map1}]} {
    %mul3A = arith.constant 640 : i32
    %mul3A_0 = arith.muli %arg1, %mul3A : i32
    %multiple_of3A = tpu.assume_multiple %mul3A_0, 8 : i32
    "tpu.region"() ({
      %run_scoped3A = tpu.sem_alloc : memref<!tpu.dma_semaphore, #tpu.memory_space<semaphore_mem>>
      %dma_start3A = tpu.memref_slice %arg13[%multiple_of3A] : memref<10240xf32, #tpu.memory_space<vmem_shared>> -> memref<640xf32, #tpu.memory_space<vmem_shared>>
      tpu.enqueue_dma source(%arg4 : memref<640xf32, #tpu.memory_space<hbm>>) target(%dma_start3A : memref<640xf32, #tpu.memory_space<vmem_shared>>) target_semaphore(%run_scoped3A : memref<!tpu.dma_semaphore, #tpu.memory_space<semaphore_mem>>)
      %dma_wait3A = tpu.memref_slice %arg13[%multiple_of3A] : memref<10240xf32, #tpu.memory_space<vmem_shared>> -> memref<640xf32, #tpu.memory_space<vmem_shared>>
      tpu.wait_dma2 semaphore(%run_scoped3A : memref<!tpu.dma_semaphore, #tpu.memory_space<semaphore_mem>>) src(%arg4 : memref<640xf32, #tpu.memory_space<hbm>>) dst(%dma_wait3A : memref<640xf32, #tpu.memory_space<vmem_shared>>)
      tpu.yield
    }) : () -> ()
    "tpu.region"() ({
      %run_scoped3A = tpu.sem_alloc : memref<!tpu.dma_semaphore, #tpu.memory_space<semaphore_mem>>
      %dma_start3A = tpu.memref_slice %arg14[%multiple_of3A] : memref<10240xf32, #tpu.memory_space<vmem_shared>> -> memref<640xf32, #tpu.memory_space<vmem_shared>>
      tpu.enqueue_dma source(%arg4 : memref<640xf32, #tpu.memory_space<hbm>>) target(%dma_start3A : memref<640xf32, #tpu.memory_space<vmem_shared>>) target_semaphore(%run_scoped3A : memref<!tpu.dma_semaphore, #tpu.memory_space<semaphore_mem>>)
      %dma_wait3A = tpu.memref_slice %arg14[%multiple_of3A] : memref<10240xf32, #tpu.memory_space<vmem_shared>> -> memref<640xf32, #tpu.memory_space<vmem_shared>>
      tpu.wait_dma2 semaphore(%run_scoped3A : memref<!tpu.dma_semaphore, #tpu.memory_space<semaphore_mem>>) src(%arg4 : memref<640xf32, #tpu.memory_space<hbm>>) dst(%dma_wait3A : memref<640xf32, #tpu.memory_space<vmem_shared>>)
      tpu.yield
    }) : () -> ()
    "tpu.region"() ({
      %run_scoped3A = tpu.sem_alloc : memref<!tpu.dma_semaphore, #tpu.memory_space<semaphore_mem>>
      tpu.enqueue_dma source(%arg5 : memref<128xf32, #tpu.memory_space<hbm>>) target(%arg9 : memref<128xf32, #tpu.memory_space<vmem>>) target_semaphore(%run_scoped3A : memref<!tpu.dma_semaphore, #tpu.memory_space<semaphore_mem>>)
      tpu.wait_dma2 semaphore(%run_scoped3A : memref<!tpu.dma_semaphore, #tpu.memory_space<semaphore_mem>>) src(%arg5 : memref<128xf32, #tpu.memory_space<hbm>>) dst(%arg9 : memref<128xf32, #tpu.memory_space<vmem>>)
      tpu.yield
    }) : () -> ()
    %mul3A_1 = arith.constant 160 : i32
    %mul3A_2 = arith.muli %arg1, %mul3A_1 : i32
    %multiple_of3A_3 = tpu.assume_multiple %mul3A_2, 8 : i32
    "tpu.region"() ({
      %run_scoped3A = tpu.sem_alloc : memref<!tpu.dma_semaphore, #tpu.memory_space<semaphore_mem>>
      %dma_start3A = arith.constant 0 : i32
      %dma_start3A_21 = tpu.memref_slice %arg2[%multiple_of3A_3, %dma_start3A] : memref<2560x128xi32, #tpu.memory_space<hbm>> -> memref<160x128xi32, #tpu.memory_space<hbm>>
      %dma_start3A_22 = arith.constant 0 : i32
      %dma_start3A_23 = tpu.memref_slice %arg2[%multiple_of3A_3, %dma_start3A_22] : memref<2560x128xi32, #tpu.memory_space<hbm>> -> memref<160x128xi32, #tpu.memory_space<hbm>>
      tpu.enqueue_dma source(%dma_start3A_23 : memref<160x128xi32, #tpu.memory_space<hbm>>) target(%arg7 : memref<160x128xi32, #tpu.memory_space<vmem>>) target_semaphore(%run_scoped3A : memref<!tpu.dma_semaphore, #tpu.memory_space<semaphore_mem>>)
      %dma_wait3A = arith.constant 0 : i32
      %dma_wait3A_24 = tpu.memref_slice %arg2[%multiple_of3A_3, %dma_wait3A] : memref<2560x128xi32, #tpu.memory_space<hbm>> -> memref<160x128xi32, #tpu.memory_space<hbm>>
      %dma_wait3A_25 = arith.constant 0 : i32
      %dma_wait3A_26 = tpu.memref_slice %arg2[%multiple_of3A_3, %dma_wait3A_25] : memref<2560x128xi32, #tpu.memory_space<hbm>> -> memref<160x128xi32, #tpu.memory_space<hbm>>
      tpu.wait_dma2 semaphore(%run_scoped3A : memref<!tpu.dma_semaphore, #tpu.memory_space<semaphore_mem>>) src(%dma_wait3A_26 : memref<160x128xi32, #tpu.memory_space<hbm>>) dst(%arg7 : memref<160x128xi32, #tpu.memory_space<vmem>>)
      tpu.yield
    }) : () -> ()
    "tpu.region"() ({
      %run_scoped3A = tpu.sem_alloc : memref<!tpu.dma_semaphore, #tpu.memory_space<semaphore_mem>>
      %dma_start3A = arith.constant 0 : i32
      %dma_start3A_21 = tpu.memref_slice %arg3[%multiple_of3A_3, %dma_start3A] : memref<2560x128xi32, #tpu.memory_space<hbm>> -> memref<160x128xi32, #tpu.memory_space<hbm>>
      %dma_start3A_22 = arith.constant 0 : i32
      %dma_start3A_23 = tpu.memref_slice %arg3[%multiple_of3A_3, %dma_start3A_22] : memref<2560x128xi32, #tpu.memory_space<hbm>> -> memref<160x128xi32, #tpu.memory_space<hbm>>
      tpu.enqueue_dma source(%dma_start3A_23 : memref<160x128xi32, #tpu.memory_space<hbm>>) target(%arg8 : memref<160x128xi32, #tpu.memory_space<vmem>>) target_semaphore(%run_scoped3A : memref<!tpu.dma_semaphore, #tpu.memory_space<semaphore_mem>>)
      %dma_wait3A = arith.constant 0 : i32
      %dma_wait3A_24 = tpu.memref_slice %arg3[%multiple_of3A_3, %dma_wait3A] : memref<2560x128xi32, #tpu.memory_space<hbm>> -> memref<160x128xi32, #tpu.memory_space<hbm>>
      %dma_wait3A_25 = arith.constant 0 : i32
      %dma_wait3A_26 = tpu.memref_slice %arg3[%multiple_of3A_3, %dma_wait3A_25] : memref<2560x128xi32, #tpu.memory_space<hbm>> -> memref<160x128xi32, #tpu.memory_space<hbm>>
      tpu.wait_dma2 semaphore(%run_scoped3A : memref<!tpu.dma_semaphore, #tpu.memory_space<semaphore_mem>>) src(%dma_wait3A_26 : memref<160x128xi32, #tpu.memory_space<hbm>>) dst(%arg8 : memref<160x128xi32, #tpu.memory_space<vmem>>)
      tpu.yield
    }) : () -> ()
    %barrier3A = arith.constant 0 : index
    tpu.barrier barrier_id(%barrier3A)
    %scan3A = arith.constant 0 : i32
    %scan3A_4 = arith.constant 0 : i32
    %scan3A_5 = arith.constant 160 : i32
    %scan3A_6 = arith.addi %scan3A_4, %scan3A_5 : i32
    %scan3A_7 = arith.constant 1 : i32
    scf.for %scan3A_21 = %scan3A_4 to %scan3A_6 step %scan3A_7  : i32 {
      "tpu.region"() ({
        %run_scoped3A = tpu.sem_alloc : memref<!tpu.dma_semaphore, #tpu.memory_space<semaphore_mem>>
        %dma_start3A = arith.constant 0 : i32
        %dma_start3A_22 = tpu.memref_slice %arg7[%scan3A_21, %dma_start3A] : memref<160x128xi32, #tpu.memory_space<vmem>> -> memref<1x128xi32, #tpu.memory_space<vmem>>
        %dma_start3A_23 = tpu.memref_squeeze %dma_start3A_22 : memref<1x128xi32, #tpu.memory_space<vmem>> -> memref<128xi32, #tpu.memory_space<vmem>>
        %dma_start3A_24 = arith.constant 0 : i32
        %dma_start3A_25 = tpu.memref_slice %arg14[%dma_start3A_24] : memref<10240xf32, #tpu.memory_space<vmem_shared>> -> memref<10240xf32, #tpu.memory_space<vmem_shared>>
        tpu.enqueue_indirect_dma source(%arg9 : memref<128xf32, #tpu.memory_space<vmem>>) target(%dma_start3A_25 : memref<10240xf32, #tpu.memory_space<vmem_shared>>) offsets(%dma_start3A_23 : memref<128xi32, #tpu.memory_space<vmem>>) semaphore(%run_scoped3A : memref<!tpu.dma_semaphore, #tpu.memory_space<semaphore_mem>>) {add = true}
        %dma_wait3A = arith.constant 0 : i32
        %dma_wait3A_26 = tpu.memref_slice %arg7[%scan3A_21, %dma_wait3A] : memref<160x128xi32, #tpu.memory_space<vmem>> -> memref<1x128xi32, #tpu.memory_space<vmem>>
        %dma_wait3A_27 = tpu.memref_squeeze %dma_wait3A_26 : memref<1x128xi32, #tpu.memory_space<vmem>> -> memref<128xi32, #tpu.memory_space<vmem>>
        %dma_wait3A_28 = arith.constant 0 : i32
        %dma_wait3A_29 = tpu.memref_slice %arg14[%dma_wait3A_28] : memref<10240xf32, #tpu.memory_space<vmem_shared>> -> memref<10240xf32, #tpu.memory_space<vmem_shared>>
        tpu.wait_indirect_dma semaphore(%run_scoped3A : memref<!tpu.dma_semaphore, #tpu.memory_space<semaphore_mem>>) src(%arg9 : memref<128xf32, #tpu.memory_space<vmem>>) dst(%dma_wait3A_29 : memref<10240xf32, #tpu.memory_space<vmem_shared>>)
        tpu.yield
      }) : () -> ()
      "tpu.region"() ({
        %run_scoped3A = tpu.sem_alloc : memref<!tpu.dma_semaphore, #tpu.memory_space<semaphore_mem>>
        %dma_start3A = arith.constant 0 : i32
        %dma_start3A_22 = tpu.memref_slice %arg8[%scan3A_21, %dma_start3A] : memref<160x128xi32, #tpu.memory_space<vmem>> -> memref<1x128xi32, #tpu.memory_space<vmem>>
        %dma_start3A_23 = tpu.memref_squeeze %dma_start3A_22 : memref<1x128xi32, #tpu.memory_space<vmem>> -> memref<128xi32, #tpu.memory_space<vmem>>
        %dma_start3A_24 = arith.constant 0 : i32
        %dma_start3A_25 = tpu.memref_slice %arg13[%dma_start3A_24] : memref<10240xf32, #tpu.memory_space<vmem_shared>> -> memref<10240xf32, #tpu.memory_space<vmem_shared>>
        tpu.enqueue_indirect_dma source(%arg9 : memref<128xf32, #tpu.memory_space<vmem>>) target(%dma_start3A_25 : memref<10240xf32, #tpu.memory_space<vmem_shared>>) offsets(%dma_start3A_23 : memref<128xi32, #tpu.memory_space<vmem>>) semaphore(%run_scoped3A : memref<!tpu.dma_semaphore, #tpu.memory_space<semaphore_mem>>) {add = true}
        %dma_wait3A = arith.constant 0 : i32
        %dma_wait3A_26 = tpu.memref_slice %arg8[%scan3A_21, %dma_wait3A] : memref<160x128xi32, #tpu.memory_space<vmem>> -> memref<1x128xi32, #tpu.memory_space<vmem>>
        %dma_wait3A_27 = tpu.memref_squeeze %dma_wait3A_26 : memref<1x128xi32, #tpu.memory_space<vmem>> -> memref<128xi32, #tpu.memory_space<vmem>>
        %dma_wait3A_28 = arith.constant 0 : i32
        %dma_wait3A_29 = tpu.memref_slice %arg13[%dma_wait3A_28] : memref<10240xf32, #tpu.memory_space<vmem_shared>> -> memref<10240xf32, #tpu.memory_space<vmem_shared>>
        tpu.wait_indirect_dma semaphore(%run_scoped3A : memref<!tpu.dma_semaphore, #tpu.memory_space<semaphore_mem>>) src(%arg9 : memref<128xf32, #tpu.memory_space<vmem>>) dst(%dma_wait3A_29 : memref<10240xf32, #tpu.memory_space<vmem_shared>>)
        tpu.yield
      }) : () -> ()
    }
    %scan3A_8 = arith.constant 160 : i32
    %barrier3A_9 = arith.constant 0 : index
    tpu.barrier barrier_id(%barrier3A_9)
    %mul3A_10 = arith.constant 5120 : i32
    %mul3A_11 = arith.muli %arg0, %mul3A_10 : i32
    %mul3A_12 = arith.constant 320 : i32
    %mul3A_13 = arith.muli %arg1, %mul3A_12 : i32
    %add3A = arith.addi %mul3A_11, %mul3A_13 : i32
    %multiple_of3A_14 = tpu.assume_multiple %add3A, 8 : i32
    "tpu.region"() ({
      %run_scoped3A = tpu.sem_alloc : memref<!tpu.dma_semaphore, #tpu.memory_space<semaphore_mem>>
      %dma_start3A = tpu.memref_slice %arg13[%multiple_of3A_14] : memref<10240xf32, #tpu.memory_space<vmem_shared>> -> memref<320xf32, #tpu.memory_space<vmem_shared>>
      %dma_start3A_21 = tpu.memref_slice %arg13[%multiple_of3A_14] : memref<10240xf32, #tpu.memory_space<vmem_shared>> -> memref<320xf32, #tpu.memory_space<vmem_shared>>
      tpu.enqueue_dma source(%dma_start3A_21 : memref<320xf32, #tpu.memory_space<vmem_shared>>) target(%arg10 : memref<320xf32, #tpu.memory_space<vmem>>) target_semaphore(%run_scoped3A : memref<!tpu.dma_semaphore, #tpu.memory_space<semaphore_mem>>)
      %dma_wait3A = tpu.memref_slice %arg13[%multiple_of3A_14] : memref<10240xf32, #tpu.memory_space<vmem_shared>> -> memref<320xf32, #tpu.memory_space<vmem_shared>>
      %dma_wait3A_22 = tpu.memref_slice %arg13[%multiple_of3A_14] : memref<10240xf32, #tpu.memory_space<vmem_shared>> -> memref<320xf32, #tpu.memory_space<vmem_shared>>
      tpu.wait_dma2 semaphore(%run_scoped3A : memref<!tpu.dma_semaphore, #tpu.memory_space<semaphore_mem>>) src(%dma_wait3A_22 : memref<320xf32, #tpu.memory_space<vmem_shared>>) dst(%arg10 : memref<320xf32, #tpu.memory_space<vmem>>)
      tpu.yield
    }) : () -> ()
    "tpu.region"() ({
      %run_scoped3A = tpu.sem_alloc : memref<!tpu.dma_semaphore, #tpu.memory_space<semaphore_mem>>
      %dma_start3A = tpu.memref_slice %arg14[%multiple_of3A_14] : memref<10240xf32, #tpu.memory_space<vmem_shared>> -> memref<320xf32, #tpu.memory_space<vmem_shared>>
      %dma_start3A_21 = tpu.memref_slice %arg14[%multiple_of3A_14] : memref<10240xf32, #tpu.memory_space<vmem_shared>> -> memref<320xf32, #tpu.memory_space<vmem_shared>>
      tpu.enqueue_dma source(%dma_start3A_21 : memref<320xf32, #tpu.memory_space<vmem_shared>>) target(%arg11 : memref<320xf32, #tpu.memory_space<vmem>>) target_semaphore(%run_scoped3A : memref<!tpu.dma_semaphore, #tpu.memory_space<semaphore_mem>>)
      %dma_wait3A = tpu.memref_slice %arg14[%multiple_of3A_14] : memref<10240xf32, #tpu.memory_space<vmem_shared>> -> memref<320xf32, #tpu.memory_space<vmem_shared>>
      %dma_wait3A_22 = tpu.memref_slice %arg14[%multiple_of3A_14] : memref<10240xf32, #tpu.memory_space<vmem_shared>> -> memref<320xf32, #tpu.memory_space<vmem_shared>>
      tpu.wait_dma2 semaphore(%run_scoped3A : memref<!tpu.dma_semaphore, #tpu.memory_space<semaphore_mem>>) src(%dma_wait3A_22 : memref<320xf32, #tpu.memory_space<vmem_shared>>) dst(%arg11 : memref<320xf32, #tpu.memory_space<vmem>>)
      tpu.yield
    }) : () -> ()
    %scan3A_15 = arith.constant 0 : i32
    %scan3A_16 = arith.constant 0 : i32
    %scan3A_17 = arith.constant 20 : i32
    %scan3A_18 = arith.addi %scan3A_16, %scan3A_17 : i32
    %scan3A_19 = arith.constant 1 : i32
    scf.for %scan3A_21 = %scan3A_16 to %scan3A_18 step %scan3A_19  : i32 {
      %mul3A_22 = arith.constant 16 : i32
      %mul3A_23 = arith.muli %scan3A_21, %mul3A_22 : i32
      %get3A = arith.index_cast %mul3A_23 : i32 to index
      %get3A_24 = tpu.vector_load %arg10[%get3A] {strides = array<i32>} : memref<320xf32, #tpu.memory_space<vmem>>, vector<16xf32>,
      %get3A_25 = vector.shape_cast %get3A_24 : vector<16xf32> to vector<16xf32>
      %add3A_26 = arith.constant 1.000000e+00 : f32
      %add3A_27 = vector.broadcast %add3A_26 : f32 to vector<16xf32>
      %add3A_28 = arith.addf %get3A_25, %add3A_27 : vector<16xf32>
      %mul3A_29 = arith.constant 16 : i32
      %mul3A_30 = arith.muli %scan3A_21, %mul3A_29 : i32
      %get3A_31 = arith.index_cast %mul3A_30 : i32 to index
      %get3A_32 = tpu.vector_load %arg11[%get3A_31] {strides = array<i32>} : memref<320xf32, #tpu.memory_space<vmem>>, vector<16xf32>,
      %get3A_33 = vector.shape_cast %get3A_32 : vector<16xf32> to vector<16xf32>
      %add3A_34 = arith.constant 1.000000e+00 : f32
      %add3A_35 = vector.broadcast %add3A_34 : f32 to vector<16xf32>
      %add3A_36 = arith.addf %get3A_33, %add3A_35 : vector<16xf32>
      %mul3A_37 = arith.mulf %add3A_28, %add3A_36 : vector<16xf32>
      %div3A = arith.constant 1.000000e+00 : f32
      %div3A_38 = vector.broadcast %div3A : f32 to vector<16xf32>
      %div3A_39 = arith.divf %div3A_38, %mul3A_37 : vector<16xf32>
      %mul3A_40 = arith.constant 16 : i32
      %mul3A_41 = arith.muli %scan3A_21, %mul3A_40 : i32
      %swap3A = arith.index_cast %mul3A_41 : i32 to index
      %swap3A_42 = tpu.vector_load %arg12[%swap3A] {strides = array<i32>} : memref<320xf32, #tpu.memory_space<vmem>>, vector<16xf32>,
      %swap3A_43 = vector.shape_cast %swap3A_42 : vector<16xf32> to vector<16xf32>
      %swap3A_44 = vector.shape_cast %div3A_39 : vector<16xf32> to vector<16xf32>
      tpu.vector_store %arg12[%swap3A], %swap3A_44 {strides = array<i32>} : memref<320xf32, #tpu.memory_space<vmem>>, vector<16xf32>,
    }
    %scan3A_20 = arith.constant 20 : i32
    "tpu.region"() ({
      %run_scoped3A = tpu.sem_alloc : memref<!tpu.dma_semaphore, #tpu.memory_space<semaphore_mem>>
      %dma_start3A = tpu.memref_slice %arg6[%multiple_of3A_14] : memref<10240xf32, #tpu.memory_space<hbm>> -> memref<320xf32, #tpu.memory_space<hbm>>
      %dma_start3A_21 = tpu.memref_slice %arg6[%multiple_of3A_14] : memref<10240xf32, #tpu.memory_space<hbm>> -> memref<320xf32, #tpu.memory_space<hbm>>
      tpu.enqueue_dma source(%arg12 : memref<320xf32, #tpu.memory_space<vmem>>) target(%dma_start3A_21 : memref<320xf32, #tpu.memory_space<hbm>>) target_semaphore(%run_scoped3A : memref<!tpu.dma_semaphore, #tpu.memory_space<semaphore_mem>>)
      %dma_wait3A = tpu.memref_slice %arg6[%multiple_of3A_14] : memref<10240xf32, #tpu.memory_space<hbm>> -> memref<320xf32, #tpu.memory_space<hbm>>
      %dma_wait3A_22 = tpu.memref_slice %arg6[%multiple_of3A_14] : memref<10240xf32, #tpu.memory_space<hbm>> -> memref<320xf32, #tpu.memory_space<hbm>>
      tpu.wait_dma2 semaphore(%run_scoped3A : memref<!tpu.dma_semaphore, #tpu.memory_space<semaphore_mem>>) src(%arg12 : memref<320xf32, #tpu.memory_space<vmem>>) dst(%dma_wait3A_22 : memref<320xf32, #tpu.memory_space<hbm>>)
      tpu.yield
    }) : () -> ()
    return
  }
}

module attributes {stable_mosaic.version = 14 : i64} {
  func.func @_l1_body(%arg0: i32, %arg1: memref<1000x128xf32, #tpu.memory_space<vmem>>, %arg2: memref<128x128xf32, #tpu.memory_space<vmem>>, %arg3: memref<1x128xf32, #tpu.memory_space<vmem>>, %arg4: memref<1000x128xf32, #tpu.memory_space<vmem>>) attributes {dimension_semantics = [#tpu.dimension_semantics<arbitrary>], iteration_bounds = array<i64: 10>, scalar_prefetch = 0 : i64, scratch_operands = 0 : i64, tpu.core_type = #tpu.core_type<tc>, window_params = [{transform_indices = @transform_0, window_bounds = array<i64: 1000, 128>}, {pipeline_mode = #tpu.pipeline_mode<synchronous>, transform_indices = @transform_1, window_bounds = array<i64: 128, 128>}, {pipeline_mode = #tpu.pipeline_mode<synchronous>, transform_indices = @transform_2, window_bounds = array<i64: 1, 128>}, {transform_indices = @transform_3, window_bounds = array<i64: 1000, 128>}]} {
    %get3A = arith.constant 0 : index
    %get3A_0 = arith.constant 0 : index
    %get3A_1 = vector.load %arg1[%get3A, %get3A_0] : memref<1000x128xf32, #tpu.memory_space<vmem>>, vector<1000x128xf32>
    %get3A_2 = arith.constant 0 : index
    %get3A_3 = arith.constant 0 : index
    %get3A_4 = vector.load %arg2[%get3A_2, %get3A_3] : memref<128x128xf32, #tpu.memory_space<vmem>>, vector<128x128xf32>
    %dot_general3A = arith.constant dense<0.000000e+00> : vector<1000x128xf32>
    %dot_general3A_5 = tpu.matmul %get3A_1, %get3A_4, %dot_general3A {dimension_numbers = #tpu.dot_dimension_numbers<[1], [0], [0], [1], [0, 0, 1, 1], [], []>, transpose_lhs_hint = false} : vector<1000x128xf32>, vector<128x128xf32>, vector<1000x128xf32> -> vector<1000x128xf32>
    %get3A_6 = arith.constant 0 : index
    %get3A_7 = arith.constant 0 : index
    %get3A_8 = vector.load %arg3[%get3A_6, %get3A_7] : memref<1x128xf32, #tpu.memory_space<vmem>>, vector<1x128xf32>
    %add3A = vector.broadcast %get3A_8 : vector<1x128xf32> to vector<1000x128xf32>
    %add3A_9 = arith.addf %dot_general3A_5, %add3A : vector<1000x128xf32>
    %max3A = arith.constant 0.000000e+00 : f32
    %max3A_10 = vector.broadcast %max3A : f32 to vector<1000x128xf32>
    %max3A_11 = arith.maximumf %add3A_9, %max3A_10 : vector<1000x128xf32>
    %swap3A = arith.constant 0 : index
    %swap3A_12 = arith.constant 0 : index
    %swap3A_13 = vector.load %arg4[%swap3A, %swap3A_12] : memref<1000x128xf32, #tpu.memory_space<vmem>>, vector<1000x128xf32>
    tpu.vector_store %arg4[%swap3A, %swap3A_12], %max3A_11 {strides = array<i32>} : memref<1000x128xf32, #tpu.memory_space<vmem>>, vector<1000x128xf32>,
    return
  }
  func.func @transform_0(%arg0: i32) -> (i32, i32) {
    %c0_i32 = arith.constant 0 : i32
    %c0_i32_0 = arith.constant 0 : i32
    return %arg0, %c0_i32 : i32, i32
  }
  func.func @transform_1(%arg0: i32) -> (i32, i32) {
    %c0_i32 = arith.constant 0 : i32
    %c0_i32_0 = arith.constant 0 : i32
    %c0_i32_1 = arith.constant 0 : i32
    return %c0_i32, %c0_i32_0 : i32, i32
  }
  func.func @transform_2(%arg0: i32) -> (i32, i32) {
    %c0_i32 = arith.constant 0 : i32
    %c0_i32_0 = arith.constant 0 : i32
    %c0_i32_1 = arith.constant 0 : i32
    return %c0_i32, %c0_i32_0 : i32, i32
  }
  func.func @transform_3(%arg0: i32) -> (i32, i32) {
    %c0_i32 = arith.constant 0 : i32
    %c0_i32_0 = arith.constant 0 : i32
    return %arg0, %c0_i32 : i32, i32
  }
}

module attributes {stable_mosaic.version = 14 : i64} {
  func.func @_mid_body(%arg0: i32, %arg1: memref<1000x128xf32, #tpu.memory_space<vmem>>, %arg2: memref<1000x128xf32, #tpu.memory_space<vmem>>, %arg3: memref<1000x128xf32, #tpu.memory_space<vmem>>, %arg4: memref<1000x1xf32, #tpu.memory_space<vmem>>, %arg5: memref<128x128xf32, #tpu.memory_space<vmem>>, %arg6: memref<1x128xf32, #tpu.memory_space<vmem>>, %arg7: memref<1000x128xf32, #tpu.memory_space<vmem>>) attributes {dimension_semantics = [#tpu.dimension_semantics<arbitrary>], iteration_bounds = array<i64: 10>, scalar_prefetch = 0 : i64, scratch_operands = 0 : i64, tpu.core_type = #tpu.core_type<tc>, window_params = [{transform_indices = @transform_0, window_bounds = array<i64: 1000, 128>}, {transform_indices = @transform_1, window_bounds = array<i64: 1000, 128>}, {transform_indices = @transform_2, window_bounds = array<i64: 1000, 128>}, {transform_indices = @transform_3, window_bounds = array<i64: 1000, 1>}, {pipeline_mode = #tpu.pipeline_mode<synchronous>, transform_indices = @transform_4, window_bounds = array<i64: 128, 128>}, {pipeline_mode = #tpu.pipeline_mode<synchronous>, transform_indices = @transform_5, window_bounds = array<i64: 1, 128>}, {transform_indices = @transform_6, window_bounds = array<i64: 1000, 128>}]} {
    %get3A = arith.constant 0 : index
    %get3A_0 = arith.constant 0 : index
    %get3A_1 = vector.load %arg1[%get3A, %get3A_0] : memref<1000x128xf32, #tpu.memory_space<vmem>>, vector<1000x128xf32>
    %get3A_2 = arith.constant 0 : index
    %get3A_3 = arith.constant 0 : index
    %get3A_4 = vector.load %arg2[%get3A_2, %get3A_3] : memref<1000x128xf32, #tpu.memory_space<vmem>>, vector<1000x128xf32>
    %get3A_5 = arith.constant 0 : index
    %get3A_6 = arith.constant 0 : index
    %get3A_7 = vector.load %arg3[%get3A_5, %get3A_6] : memref<1000x128xf32, #tpu.memory_space<vmem>>, vector<1000x128xf32>
    %add3A = arith.addf %get3A_4, %get3A_7 : vector<1000x128xf32>
    %add3A_8 = arith.addf %add3A, %get3A_1 : vector<1000x128xf32>
    %get3A_9 = arith.constant 0 : index
    %get3A_10 = arith.constant 0 : index
    %get3A_11 = vector.load %arg4[%get3A_9, %get3A_10] : memref<1000x1xf32, #tpu.memory_space<vmem>>, vector<1000x1xf32>
    %mul3A = vector.broadcast %get3A_11 : vector<1000x1xf32> to vector<1000x128xf32>
    %mul3A_12 = arith.mulf %add3A_8, %mul3A : vector<1000x128xf32>
    %sub3A = arith.subf %get3A_1, %mul3A_12 : vector<1000x128xf32>
    %get3A_13 = arith.constant 0 : index
    %get3A_14 = arith.constant 0 : index
    %get3A_15 = vector.load %arg5[%get3A_13, %get3A_14] : memref<128x128xf32, #tpu.memory_space<vmem>>, vector<128x128xf32>
    %dot_general3A = arith.constant dense<0.000000e+00> : vector<1000x128xf32>
    %dot_general3A_16 = tpu.matmul %sub3A, %get3A_15, %dot_general3A {dimension_numbers = #tpu.dot_dimension_numbers<[1], [0], [0], [1], [0, 0, 1, 1], [], []>, transpose_lhs_hint = false} : vector<1000x128xf32>, vector<128x128xf32>, vector<1000x128xf32> -> vector<1000x128xf32>
    %get3A_17 = arith.constant 0 : index
    %get3A_18 = arith.constant 0 : index
    %get3A_19 = vector.load %arg6[%get3A_17, %get3A_18] : memref<1x128xf32, #tpu.memory_space<vmem>>, vector<1x128xf32>
    %add3A_20 = vector.broadcast %get3A_19 : vector<1x128xf32> to vector<1000x128xf32>
    %add3A_21 = arith.addf %dot_general3A_16, %add3A_20 : vector<1000x128xf32>
    %max3A = arith.constant 0.000000e+00 : f32
    %max3A_22 = vector.broadcast %max3A : f32 to vector<1000x128xf32>
    %max3A_23 = arith.maximumf %add3A_21, %max3A_22 : vector<1000x128xf32>
    %swap3A = arith.constant 0 : index
    %swap3A_24 = arith.constant 0 : index
    %swap3A_25 = vector.load %arg7[%swap3A, %swap3A_24] : memref<1000x128xf32, #tpu.memory_space<vmem>>, vector<1000x128xf32>
    tpu.vector_store %arg7[%swap3A, %swap3A_24], %max3A_23 {strides = array<i32>} : memref<1000x128xf32, #tpu.memory_space<vmem>>, vector<1000x128xf32>,
    return
  }
  func.func @transform_0(%arg0: i32) -> (i32, i32) {
    %c0_i32 = arith.constant 0 : i32
    %c0_i32_0 = arith.constant 0 : i32
    return %arg0, %c0_i32 : i32, i32
  }
  func.func @transform_1(%arg0: i32) -> (i32, i32) {
    %c0_i32 = arith.constant 0 : i32
    %c0_i32_0 = arith.constant 0 : i32
    return %arg0, %c0_i32 : i32, i32
  }
  func.func @transform_2(%arg0: i32) -> (i32, i32) {
    %c0_i32 = arith.constant 0 : i32
    %c0_i32_0 = arith.constant 0 : i32
    return %arg0, %c0_i32 : i32, i32
  }
  func.func @transform_3(%arg0: i32) -> (i32, i32) {
    %c0_i32 = arith.constant 0 : i32
    %c0_i32_0 = arith.constant 0 : i32
    return %arg0, %c0_i32 : i32, i32
  }
  func.func @transform_4(%arg0: i32) -> (i32, i32) {
    %c0_i32 = arith.constant 0 : i32
    %c0_i32_0 = arith.constant 0 : i32
    %c0_i32_1 = arith.constant 0 : i32
    return %c0_i32, %c0_i32_0 : i32, i32
  }
  func.func @transform_5(%arg0: i32) -> (i32, i32) {
    %c0_i32 = arith.constant 0 : i32
    %c0_i32_0 = arith.constant 0 : i32
    %c0_i32_1 = arith.constant 0 : i32
    return %c0_i32, %c0_i32_0 : i32, i32
  }
  func.func @transform_6(%arg0: i32) -> (i32, i32) {
    %c0_i32 = arith.constant 0 : i32
    %c0_i32_0 = arith.constant 0 : i32
    return %arg0, %c0_i32 : i32, i32
  }
}

module attributes {stable_mosaic.version = 14 : i64} {
  func.func @_mid_body(%arg0: i32, %arg1: memref<1000x128xf32, #tpu.memory_space<vmem>>, %arg2: memref<1000x128xf32, #tpu.memory_space<vmem>>, %arg3: memref<1000x128xf32, #tpu.memory_space<vmem>>, %arg4: memref<1000x1xf32, #tpu.memory_space<vmem>>, %arg5: memref<128x128xf32, #tpu.memory_space<vmem>>, %arg6: memref<1x128xf32, #tpu.memory_space<vmem>>, %arg7: memref<1000x128xf32, #tpu.memory_space<vmem>>) attributes {dimension_semantics = [#tpu.dimension_semantics<arbitrary>], iteration_bounds = array<i64: 10>, scalar_prefetch = 0 : i64, scratch_operands = 0 : i64, tpu.core_type = #tpu.core_type<tc>, window_params = [{transform_indices = @transform_0, window_bounds = array<i64: 1000, 128>}, {transform_indices = @transform_1, window_bounds = array<i64: 1000, 128>}, {transform_indices = @transform_2, window_bounds = array<i64: 1000, 128>}, {transform_indices = @transform_3, window_bounds = array<i64: 1000, 1>}, {pipeline_mode = #tpu.pipeline_mode<synchronous>, transform_indices = @transform_4, window_bounds = array<i64: 128, 128>}, {pipeline_mode = #tpu.pipeline_mode<synchronous>, transform_indices = @transform_5, window_bounds = array<i64: 1, 128>}, {transform_indices = @transform_6, window_bounds = array<i64: 1000, 128>}]} {
    %get3A = arith.constant 0 : index
    %get3A_0 = arith.constant 0 : index
    %get3A_1 = vector.load %arg1[%get3A, %get3A_0] : memref<1000x128xf32, #tpu.memory_space<vmem>>, vector<1000x128xf32>
    %get3A_2 = arith.constant 0 : index
    %get3A_3 = arith.constant 0 : index
    %get3A_4 = vector.load %arg2[%get3A_2, %get3A_3] : memref<1000x128xf32, #tpu.memory_space<vmem>>, vector<1000x128xf32>
    %get3A_5 = arith.constant 0 : index
    %get3A_6 = arith.constant 0 : index
    %get3A_7 = vector.load %arg3[%get3A_5, %get3A_6] : memref<1000x128xf32, #tpu.memory_space<vmem>>, vector<1000x128xf32>
    %add3A = arith.addf %get3A_4, %get3A_7 : vector<1000x128xf32>
    %add3A_8 = arith.addf %add3A, %get3A_1 : vector<1000x128xf32>
    %get3A_9 = arith.constant 0 : index
    %get3A_10 = arith.constant 0 : index
    %get3A_11 = vector.load %arg4[%get3A_9, %get3A_10] : memref<1000x1xf32, #tpu.memory_space<vmem>>, vector<1000x1xf32>
    %mul3A = vector.broadcast %get3A_11 : vector<1000x1xf32> to vector<1000x128xf32>
    %mul3A_12 = arith.mulf %add3A_8, %mul3A : vector<1000x128xf32>
    %sub3A = arith.subf %get3A_1, %mul3A_12 : vector<1000x128xf32>
    %get3A_13 = arith.constant 0 : index
    %get3A_14 = arith.constant 0 : index
    %get3A_15 = vector.load %arg5[%get3A_13, %get3A_14] : memref<128x128xf32, #tpu.memory_space<vmem>>, vector<128x128xf32>
    %dot_general3A = arith.constant dense<0.000000e+00> : vector<1000x128xf32>
    %dot_general3A_16 = tpu.matmul %sub3A, %get3A_15, %dot_general3A {dimension_numbers = #tpu.dot_dimension_numbers<[1], [0], [0], [1], [0, 0, 1, 1], [], []>, transpose_lhs_hint = false} : vector<1000x128xf32>, vector<128x128xf32>, vector<1000x128xf32> -> vector<1000x128xf32>
    %get3A_17 = arith.constant 0 : index
    %get3A_18 = arith.constant 0 : index
    %get3A_19 = vector.load %arg6[%get3A_17, %get3A_18] : memref<1x128xf32, #tpu.memory_space<vmem>>, vector<1x128xf32>
    %add3A_20 = vector.broadcast %get3A_19 : vector<1x128xf32> to vector<1000x128xf32>
    %add3A_21 = arith.addf %dot_general3A_16, %add3A_20 : vector<1000x128xf32>
    %max3A = arith.constant 0.000000e+00 : f32
    %max3A_22 = vector.broadcast %max3A : f32 to vector<1000x128xf32>
    %max3A_23 = arith.maximumf %add3A_21, %max3A_22 : vector<1000x128xf32>
    %swap3A = arith.constant 0 : index
    %swap3A_24 = arith.constant 0 : index
    %swap3A_25 = vector.load %arg7[%swap3A, %swap3A_24] : memref<1000x128xf32, #tpu.memory_space<vmem>>, vector<1000x128xf32>
    tpu.vector_store %arg7[%swap3A, %swap3A_24], %max3A_23 {strides = array<i32>} : memref<1000x128xf32, #tpu.memory_space<vmem>>, vector<1000x128xf32>,
    return
  }
  func.func @transform_0(%arg0: i32) -> (i32, i32) {
    %c0_i32 = arith.constant 0 : i32
    %c0_i32_0 = arith.constant 0 : i32
    return %arg0, %c0_i32 : i32, i32
  }
  func.func @transform_1(%arg0: i32) -> (i32, i32) {
    %c0_i32 = arith.constant 0 : i32
    %c0_i32_0 = arith.constant 0 : i32
    return %arg0, %c0_i32 : i32, i32
  }
  func.func @transform_2(%arg0: i32) -> (i32, i32) {
    %c0_i32 = arith.constant 0 : i32
    %c0_i32_0 = arith.constant 0 : i32
    return %arg0, %c0_i32 : i32, i32
  }
  func.func @transform_3(%arg0: i32) -> (i32, i32) {
    %c0_i32 = arith.constant 0 : i32
    %c0_i32_0 = arith.constant 0 : i32
    return %arg0, %c0_i32 : i32, i32
  }
  func.func @transform_4(%arg0: i32) -> (i32, i32) {
    %c0_i32 = arith.constant 0 : i32
    %c0_i32_0 = arith.constant 0 : i32
    %c0_i32_1 = arith.constant 0 : i32
    return %c0_i32, %c0_i32_0 : i32, i32
  }
  func.func @transform_5(%arg0: i32) -> (i32, i32) {
    %c0_i32 = arith.constant 0 : i32
    %c0_i32_0 = arith.constant 0 : i32
    %c0_i32_1 = arith.constant 0 : i32
    return %c0_i32, %c0_i32_0 : i32, i32
  }
  func.func @transform_6(%arg0: i32) -> (i32, i32) {
    %c0_i32 = arith.constant 0 : i32
    %c0_i32_0 = arith.constant 0 : i32
    return %arg0, %c0_i32 : i32, i32
  }
}

</mosaic_0001>

<sc_bundles>
// kernel: kernel.11.cloned.1.call-start
scs
__scs_entry_jumppad:
0x0: {  	(pc) =	sbr.rel $0x88, $3  }
0x1: {  	(tag) =	ssettag $0x0;
	lr =	simm.s32 $0x1  }
0x2: {  	[smem:$0x3F99] =	sst lr;
	_ =	strace $0xD0000000  }
0x3: {  	_ = 	snop  }
0x4: {  	_ = 	snop  }
0x5: {  	_ = 	snop  }
0x6: {  	_ = 	snop  }
0x7: {  	_ = 	snop  }
__scs_overlays_trampoline_lowered:
0x8: {  	[smem:$0x3FA8] =	sst s0  }
0x9: {  	[smem:$0x3FA9] =	sst s1  }
0xa: {  	[smem:$0x3FAA] =	sst s2  }
0xb: {  	[smem:$0x3FAB] =	sst s3  }
0xc: {  	[smem:$0x3FAC] =	sst s4  }
0xd: {  	[smem:$0x3FAD] =	sst s5  }
0xe: {  	[smem:$0x3FAE] =	sst s6  }
0xf: {  	[smem:$0x3FAF] =	sst s7  }
0x10: {  	[smem:$0x3FB0] =	sst s8  }
0x11: {  	[smem:$0x3FB1] =	sst s9;
	s0 =	simm.s32 @!p0 $0x0  }
0x12: {  	s1 =	sld [smem:$0x3F97];
	s0 =	simm.s32 @p0 $0x1  }
0x13: {  	[smem:$0x3FB2] =	sst s0;
	s0 =	simm.s32 @!p1 $0x0  }
0x14: {  	s2 =	sld [smem:$0x3F96];
	s0 =	simm.s32 @p1 $0x1  }
0x15: {  	[smem:$0x3FB3] =	sst s0;
	s0 =	simm.s32 @!p2 $0x0  }
0x16: {  	s3 =	sld [smem:$0x3FDB];
	s0 =	simm.s32 @p2 $0x1  }
0x17: {  	s4 =	simm.s32 $0x1BF5;
	[smem:$0x3FB5] =	sst s0  }
0x18: {  	s0 =	sld [smem:$0x3F98];
	_ =	swait.ge [sflag:s4], $0x0  }
0x19: {  	s7 =	sld [smem:$0x3F99]  }
0x1a: {  	s8 =	sadd.s32 $0xFFFFE003, lr  }
0x1b: {  	s9 =	sadd.s32 $0xFFFFFEF7, lr;
	s5 =	simm.s32 $0xFFFFFFFF;
	p2 =	slt.u32 s8, $0xFFFFF086  }
0x1c: {  	p1 =	slt.u32 s9, $0xF7A;
	s5 =	simm.s32 @!p2 $0x0  }
0x1d: {  	s5 =	simm.s32 @p1 $0x1;
	p0 =	seq.s32 s7, s2  }
0x1e: {  	s7 =	smul.u32 @!p0 $0xF7A, s2;
	p2 =	seq.s32 @!p0 s5, $0x0  }
0x1f: {  	s9 =	smul.u32 $0xF7A, s1;
	s8 =	simm.s32 @!p0 $0x1BF5;
	p2 =	por !p2, p0  }
0x20: {  	[sflag:s8] =	ssyncset.s32 @!p0 $0xFFFFF086;
	s6 =	sadd.s32 @!p0 s3, s7;
	s7 =	simm.s32 @!p0 $0x108  }
0x21: {  	s3 =	sadd.s32 s3, s9;
	s6 =	sadd.s32 @!p0 $0x88, s6;
	s7 =	simm.s32 @p2 $0x1082  }
0x22: {  	[simem:s7], [sflag:s8] =	dma.local @!p0 [hbm:s6], $0xF7A  }
0x23: {  	s9 =	sor.u32 $0xD0000000, s2;
	s6 =	simm.s32 $0x108;
	_ =	swait.ge @!p0 [sflag:s8], $0x0  }
0x24: {  	s3 =	sadd.s32 $0x88, s3;
	s6 =	simm.s32 @!p1 $0x1082;
	[sflag:s4] =	ssyncset.s32 $0xFFFFF086  }
0x25: {  	[simem:s6], [sflag:s4] =	dma.local [hbm:s3], $0xF7A  }
0x26: {  	[smem:$0x3F99] =	sst s1;
	(tag) =	ssettag s2;
	_ =	strace s9  }
0x27: {  	s1 =	sld [smem:$0x3FA9]  }
0x28: {  	s2 =	sld [smem:$0x3FAA]  }
0x29: {  	s4 =	sld [smem:$0x3FAC]  }
0x2a: {  	p0 =	seq.s32 s5, $0x0;
	s5 =	sld [smem:$0x3FAD]  }
0x2b: {  	s6 =	sld [smem:$0x3FAE]  }
0x2c: {  	s7 =	sld [smem:$0x3FAF]  }
0x2d: {  	s3 =	simm.s32 $0x108;
	s8 =	sld [smem:$0x3FB0]  }
0x2e: {  	s3 =	simm.s32 @!p0 $0x1082;
	s9 =	sld [smem:$0x3FB1]  }
0x2f: {  	lr =	sadd.s32 s0, s3;
	s0 =	sld [smem:$0x3FA8]  }
0x30: {  	s3 =	sld [smem:$0x3FAB]  }
0x31: {  	[smem:$0x3FB4] =	sst s10  }
0x32: {  	s10 =	sld [smem:$0x3FB2];
	_ =	sdelay $0x3  }
0x33: {  	p0 =	seq.s32 s10, $0x1;
	s10 =	sld [smem:$0x3FB4];
	_ =	sdelay $0x3  }
0x34: {  	[smem:$0x3FB4] =	sst s10  }
0x35: {  	s10 =	sld [smem:$0x3FB3];
	_ =	sdelay $0x3  }
0x36: {  	p1 =	seq.s32 s10, $0x1;
	s10 =	sld [smem:$0x3FB4];
	_ =	sdelay $0x3  }
0x37: {  	[smem:$0x3FB4] =	sst s10  }
0x38: {  	s10 =	sld [smem:$0x3FB5]  }
0x39: {  	_ = 	snop;
	(pc) =	sbr.ind lr, $3  }
0x3a: {  	_ = 	snop  }
0x3b: {  	_ = 	snop  }
0x3c: {  	p2 =	seq.s32 s10, $0x1;
	s10 =	sld [smem:$0x3FB4]  }
0x3d: {  	_ =	shalt  }
0x3e: {  	_ =	shalt  }
0x3f: {  	_ =	shalt  }
0x40: {  	_ =	shalt  }
0x41: {  	_ =	shalt  }
0x42: {  	_ =	shalt  }
0x43: {  	_ =	shalt  }
0x44: {  	_ =	shalt  }
0x45: {  	_ =	shalt  }
0x46: {  	_ =	shalt  }
0x47: {  	_ =	shalt  }
0x48: {  	_ =	shalt  }
0x49: {  	_ =	shalt  }
0x4a: {  	_ =	shalt  }
0x4b: {  	_ =	shalt  }
0x4c: {  	_ =	shalt  }
0x4d: {  	_ =	shalt  }
0x4e: {  	_ =	shalt  }
0x4f: {  	_ =	shalt  }
0x50: {  	_ =	shalt  }
0x51: {  	_ =	shalt  }
0x52: {  	_ =	shalt  }
0x53: {  	_ =	shalt  }
0x54: {  	_ =	shalt  }
0x55: {  	_ =	shalt  }
0x56: {  	_ =	shalt  }
0x57: {  	_ =	shalt  }
0x58: {  	_ =	shalt  }
0x59: {  	_ =	shalt  }
0x5a: {  	_ =	shalt  }
0x5b: {  	_ =	shalt  }
0x5c: {  	_ =	shalt  }
0x5d: {  	_ =	shalt  }
0x5e: {  	_ =	shalt  }
0x5f: {  	_ =	shalt  }
0x60: {  	_ =	shalt  }
0x61: {  	_ =	shalt  }
0x62: {  	_ =	shalt  }
0x63: {  	_ =	shalt  }
0x64: {  	_ =	shalt  }
0x65: {  	_ =	shalt  }
0x66: {  	_ =	shalt  }
0x67: {  	_ =	shalt  }
0x68: {  	_ =	shalt  }
0x69: {  	_ =	shalt  }
0x6a: {  	_ =	shalt  }
0x6b: {  	_ =	shalt  }
0x6c: {  	_ =	shalt  }
0x6d: {  	_ =	shalt  }
0x6e: {  	_ =	shalt  }
0x6f: {  	_ =	shalt  }
0x70: {  	_ =	shalt  }
0x71: {  	_ =	shalt  }
0x72: {  	_ =	shalt  }
0x73: {  	_ =	shalt  }
0x74: {  	_ =	shalt  }
0x75: {  	_ =	shalt  }
0x76: {  	_ =	shalt  }
0x77: {  	_ =	shalt  }
0x78: {  	_ =	shalt  }
0x79: {  	_ =	shalt  }
0x7a: {  	_ =	shalt  }
0x7b: {  	_ =	shalt  }
0x7c: {  	_ =	shalt  }
0x7d: {  	_ =	shalt  }
0x7e: {  	_ =	shalt  }
0x7f: {  	_ =	shalt  }
0x80: {  	_ =	shalt  }
0x81: {  	_ =	shalt  }
0x82: {  	_ =	shalt  }
0x83: {  	_ =	shalt  }
0x84: {  	_ =	shalt  }
0x85: {  	_ =	shalt  }
0x86: {  	_ =	shalt  }
0x87: {  	_ =	shalt  }
.Lfunc_end0:
.L_simem_size_0:
called_computation.1_lowered:
.L_overlay_start_0:
0x88: {  	s2 =	sld [smem:$0x3FD9]  }
0x89: {  	s3 =	sld [smem:$0x3FFE];
	_ =	sdelay $0x1  }
0x8a: {  	s1 =	srdreg.scid  }
0x8b: {  	s0 =	sand.u32 $0x1, s1  }
0x8c: {  	s17 =	sshll.u32 s0, $0xA;
	s2 =	sadd.s32 s3, s2  }
0x8d: {  	s2 =	sadd.s32 s2, s17  }
0x8e: {  	[smem:$0x3FC0] =	sst s2  }
0x8f: {  	_ = 	snop  }
0x90: {  	s18 =	sld [smem:$0x3FD0];
	(tm) =	ssettm $0x1  }
0x91: {  	s19 =	sld [smem:$0x3FFB];
	_ =	sdelay $0x3  }
0x92: {  	_ =	strace s19  }
0x93: {  	s2 =	sld [smem:$0x3FFC];
	_ =	sdelay $0x3  }
0x94: {  	_ =	strace s2  }
0x95: {  	s2 =	sld [smem:$0x3FFD];
	_ =	sdelay $0x3  }
0x96: {  	_ =	strace s2  }
0x97: {  	_ =	strace $0x8FFFFFFF  }
0x98: {  	s20 =	sld [smem:$0x3FDB];
	_ =	sdelay $0x1  }
0x99: {  	s4 =	simm.s32 $_scs_section_size  }
0x9a: {  	s5 =	simm.s32 $_size__tile_overlayer_lowered;
	s6 =	simm.s32 $_tile_overlayer_lowered  }
0x9b: {  	s7 =	simm.s32 $0x1BFF;
	s21 =	sshll.u32 s6, $0x1;
	s4 =	sadd.s32 s4, s20  }
0x9c: {  	s22 =	simm.s32 $0x0;
	s5 =	sshll.u32 s5, $0x1;
	s6 =	sadd.s32 s21, s4  }
0x9d: {  	[timem:s22], [sflag:s7] =	dma.local [hbm:s6], s5  }
0x9e: {  	_ =	swait.ge [sflag:s7], s5  }
0x9f: {  	s5 =	ssub.s32 $0x0, s5;
	[sflag:s7] =	ssyncset.done $0x0  }
0xa0: {  	[sflag:s7] =	ssyncadd.s32 s5;
	_ =	sdelay $0x1  }
0xa1: {  	s23 =	simm.s32 $0x1B8B  }
0xa2: {  	_ =	swait.ge [sflag:s23], $0x1  }
0xa3: {  	[sflag:s23] =	ssyncset.done $0x0  }
0xa4: {  	[sflag:s23] =	ssyncadd.s32 $0xFFFFFFFF  }
0xa5: {  	s5 =	sld [smem:$0x0]  }
0xa6: {  	s6 =	sand.u32 $0xFFFFFFFE, s1  }
0xa7: {  	p0 =	sne.s32 s1, s6  }
0xa8: {  	s6 =	sshll.u32 @p0 s6, $0xE  }
0xa9: {  	s6 =	sadd.s32 @p0 $0x11B8D, s6;
	s7 =	sshll.u32 @p0 s5, $0x11  }
0xaa: {  	s6 =	sor.u32 @p0 s7, s6  }
0xab: {  	[sflag:s6] =	ssyncadd.remote.s32 @p0 $0x1;
	_ =	sdelay $0x1  }
0xac: {  	s6 =	simm.s32 @p0 $0x1B8D  }
0xad: {  	_ =	swait.eq @p0 [sflag:s6], $0x1  }
0xae: {  	[sflag:s6] =	ssyncadd.s32 @p0 $0xFFFFFFFF  }
0xaf: {  	s7 =	sshll.u32 @!p0 s1, $0xE  }
0xb0: {  	s7 =	sor.u32 @!p0 $0x4000, s7;
	s6 =	simm.s32 @!p0 $0x1B8D  }
0xb1: {  	s5 =	sshll.u32 @!p0 s5, $0x11;
	s7 =	sadd.s32 @!p0 $0x11B8D, s7;
	_ =	swait.eq @!p0 [sflag:s6], $0x1  }
0xb2: {  	s5 =	sor.u32 @!p0 s5, s7;
	[sflag:s6] =	ssyncadd.s32 @!p0 $0xFFFFFFFF  }
0xb3: {  	s25 =	simm.s32 $0x1B8E;
	s24 =	sld [smem:$0x3FFE];
	[sflag:s5] =	ssyncadd.remote.s32 @!p0 $0x1  }
0xb4: {  	s26 =	simm.s32 $execute0_lowered;
	[smem:$0x3FD2] =	sst s25  }
0xb5: {  	s6 =	sshll.u32 s26, $0x1;
	_ =	strace $0x80000049;
	[dreg:$0x1] =	wrdreg $0xFFFFFFFF  }
0xb6: {  	s28 =	simm.s32 $_size_execute0_lowered;
	s4 =	sadd.s32 s4, s6;
	[dreg:$0x0] =	wrdreg $0x0  }
0xb7: {  	s6 =	sshll.u32 s28, $0x1;
	[dreg:$0x2] =	wrdreg s4  }
0xb8: {  	[dreg:$0x3] =	wrdreg s6  }
0xb9: {  	[dreg:$0x4] =	wrdreg $0xC0  }
0xba: {  	_ =	task [dreg:s22], $0x5FFFF  }
0xbb: {  	[dreg:$0x1] =	wrdreg $0xFFFFFFFF  }
0xbc: {  	[dreg:$0x0] =	wrdreg $0x60  }
0xbd: {  	[dreg:$0x2] =	wrdreg s18  }
0xbe: {  	[dreg:$0x3] =	wrdreg s24  }
0xbf: {  	[dreg:$0x4] =	wrdreg $0x90000  }
0xc0: {  	[dreg:$0x5] =	wrdreg $0xA  }
0xc1: {  	_ =	task.clear_ibuf [dreg:s22], $0x6FFFF;
	_ =	strace $0x90000049  }
0xc2: {  	s29 =	simm.s32 $0xA;
	_ =	strace $0x8000004B  }
0xc3: {  	_ =	swait.ge [sflag:s29], $0x1  }
0xc4: {  	[sflag:s29] =	ssyncadd.s32 $0xFFFFFFFF  }
0xc5: {  	_ =	strace $0x9000004B  }
0xc6: {  	_ =	sfence  }
0xc7: {  	s30 =	sld [smem:$0x0];
	_ =	sdelay $0x2  }
0xc8: {  	s31 =	sshll.u32 s1, $0xD;
	s1 =	sshrl.u32 s1, $0x2  }
0xc9: {  	s4 =	sand.u32 $0x4000, s31;
	s1 =	sadd.s32 s1, s30  }
0xca: {  	s0 =	sor.u32 s4, s0;
	s1 =	sshll.u32 s1, $0x11  }
0xcb: {  	s0 =	sor.u32 s1, s0  }
0xcc: {  	s0 =	sadd.s32 $0x8F2B, s0  }
0xcd: {  	[sflag:s0] =	ssyncadd.remote.s32 $0x1  }
0xce: {  	_ =	sfence.sel $0xFFFF  }
0xcf: {  	[dreg:$0x0] =	wrdreg $0xFFFFFFFF;
	(pc) =	sbr.abs _section_cstart, $3  }
0xd0: {  	[dreg:$0x1] =	wrdreg $0xFFFFFFFF  }
0xd1: {  	_ =	task.clear_ibuf [dreg:s22], $0x2FFFF;
	_ =	strace $0x9FFFFFFF  }
0xd2: {  	(tm) =	ssettm $0x7FFFFFFF  }
0xd3: {  	_ =	shalt  }
tec
execute0_lowered:
.L_overlay_start_1:
0x0: {  	(tag) =	ssettag $0x1  }
0x1: {  	s1 =	rddreg [dreg:$0x0];
	s2 =	srdreg.scid  }
0x2: {  	s0 =	stileid.u32;
	s6 =	rddreg [dreg:$0x1]  }
0x3: {  	s3 =	rddreg [dreg:$0x2];
	s4 =	simm.s32 $0x0;
	s14 =	simm.s32 $0x2800  }
0x4: {  	s15 =	simm.s32 $0x80;
	s17 =	simm.s32 $0x1;
	s19 =	simm.s32 $0x0  }
0x5: {  	s9 =	sand.u32 $0x1, s2;
	s2 =	rddreg [dreg:$0x3];
	s7 =	smul.u32 $0x2800, s0  }
0x6: {  	s28 =	sshll.u32 s0, $0x1;
	[smem:$0x7FF] =	sst s4;
	s11 =	smul.u32 $0x50000, s0  }
0x7: {  	s16 =	smul.u32 $0xFFFFFD80, s0;
	s31 =	sshll.u32 s0, $0x6;
	p2 =	sne.s32 s0, $0xF  }
0x8: {  	p3 =	seq.s32 s0, $0xF;
	s5 =	sor.u32 s9, s28;
	_ =	strace $0x8000004A  }
0x9: {  	s10 =	ssub.s32 $0x2, s9;
	s5 =	smul.u32 $0x500, s5;
	s12 =	sadd.s32 s7, s6  }
0xa: {  	s29 =	sshrl.u32 s10, $0x1;
	s30 =	sshrl.u32 s11, $0x2;
	p0 =	slt.s32 s16, $0xFFFFDB70  }
0xb: {  	s13 =	ssub.s32 s10, s29;
	s18 =	sadd.s32 s30, s3;
	s16 =	simm.s32 @!p0 $0xFFFFDB70  }
.Ltmp0:
0xc: {  	p0 =	seq.s32 s9, $0x1;
	s9 =	sadd.s32 $0x25200, s12;
	(pc) =	sbr.rel .LBB2_1-.Ltmp0, $4  }
0xd: {  	s10 =	sadd.s32 $0x4C400, s12;
	s8 =	sadd.s32 s5, s6;
	s5 =	sadd.s32 $0x22A00, s6  }
0xe: {  	s6 =	sor.u32 $0x1C02, s31;
	s11 =	smax.u32 s13, $0x1;
	s12 =	sshrl.u32 s18, $0x3  }
0xf: {  	s13 =	simm.s32 $0x2;
	p1 =	sne.s32 s16, $0xFFFFDB70;
	s16 =	simm.s32 $0x5000  }
0x10: {  	s7 =	sadd.s32 $0xE000, s8;
	s8 =	sadd.s32 $0x18000, s8;
	s18 =	sshrl.u32 @!p1 s18, $0x3  }
.LBB2_6:
0x11: {  	[hbm:s20], [sflag:s6] =	dma.local [spmem:s12], $0x1900  }
0x12: {  	_ =	swait.ge [sflag:s13], $0x1900  }
0x13: {  	[sflag:s13] =	ssyncset.done $0x0  }
0x14: {  	[sflag:s13] =	ssyncadd.s32 $0xFFFFE700  }
.LBB2_7:
0x15: {  	s19 =	sadd.s32 $0x1, s19  }
0x16: {  	p4 =	sne.s32 s19, s11  }
.Ltmp1:
0x17: {  	_ = 	snop;
	(pc) =	sbr.rel @!p4 .LBB2_8-.Ltmp1, $1  }
0x18: {  	_ =	sdelay $0x3  }
.LBB2_1:
0x19: {  	[spmem:s12], [sflag:s6] =	dma.local [hbm:s5], $0x2800  }
0x1a: {  	_ =	swait.ge [sflag:s13], $0x2800  }
0x1b: {  	[sflag:s13] =	ssyncset.done $0x0  }
0x1c: {  	[sflag:s13] =	ssyncadd.s32 $0xFFFFD800  }
0x1d: {  	[tilespmem:s4], [sflag:$0x2] =	stream.linear.gather [hbm4b:s7+s4], $0x2800, $0x38;
	[tilespmem:$0x1D000] =	vst v63  }
0x1e: {  	_ =	swait.ge [sflag:s13], $0x2800  }
0x1f: {  	[sflag:s13] =	ssyncset.done $0x0  }
0x20: {  	[sflag:s13] =	ssyncadd.s32 $0xFFFFD800  }
0x21: {  	[tilespmem:s14], [sflag:$0x2] =	stream.linear.gather [hbm4b:s8+s4], $0x2800, $0x38;
	[tilespmem:$0x1D000] =	vst v63  }
0x22: {  	_ =	swait.ge [sflag:s13], $0x2800  }
0x23: {  	[sflag:s13] =	ssyncset.done $0x0  }
0x24: {  	[sflag:s13] =	ssyncadd.s32 $0xFFFFD800  }
0x25: {  	s20 =	simm.s32 $0x0;
	[bflag:$0x0] =	sbarrier.arrive $0xFFFF  }
0x26: {  	[tilespmem:s16], [sflag:$0x1] =	stream.indirect.gather [hbm4b:s1+s15], $0x80, s20, s15, $0xb8;
	[tilespmem:$0x1D000] =	vst v63  }
0x27: {  	_ =	swait.ge [sflag:s17], $0x4000  }
0x28: {  	[sflag:s17] =	ssyncset.done $0x0  }
0x29: {  	s31 =	simm.s32 $0x2800;
	[sflag:s17] =	ssyncadd.s32 $0xFFFFC000  }
0x2a: {  	[spmem:s3] =	stream.indirect.scatter.add.f32 [tilespmem:s16], [sflag:$0x2], $0x80, s31, s15, $0xb8;
	[tilespmem:$0x1D000] =	vst v63  }
0x2b: {  	_ =	swait.ge [sflag:s13], $0x4000  }
0x2c: {  	s21 =	simm.s32 $0x400;
	s20 =	simm.s32 $0x200;
	[sflag:s13] =	ssyncset.done $0x0  }
.LBB2_2:
0x2d: {  	s22 =	sshra.s32 s20, $0x2  }
0x2e: {  	[sflag:s13] =	ssyncadd.s32 $0xFFFFC000;
	s20 =	smov.u32 s21;
	s23 =	sadd.s32 $0x200, s21  }
0x2f: {  	[tilespmem:s16], [sflag:$0x1] =	stream.indirect.gather [hbm4b:s1+s15], $0x80, s22, s15, $0xb8;
	[tilespmem:$0x1D000] =	vst v63  }
0x30: {  	p4 =	sne.s32 s21, $0x9E00;
	_ =	swait.ge [sflag:s17], $0x4000  }
.Ltmp2:
0x31: {  	[sflag:s17] =	ssyncset.done $0x0;
	(pc) =	sbr.rel @p4 .LBB2_2-.Ltmp2, $4  }
0x32: {  	s21 =	sadd.s32 $0x2800, s22;
	[sflag:s17] =	ssyncadd.s32 $0xFFFFC000  }
0x33: {  	[spmem:s3] =	stream.indirect.scatter.add.f32 [tilespmem:s16], [sflag:$0x2], $0x80, s21, s15, $0xb8;
	[tilespmem:$0x1D000] =	vst v63  }
0x34: {  	_ =	swait.ge [sflag:s13], $0x4000  }
0x35: {  	s21 =	smov.u32 s23;
	[sflag:s13] =	ssyncset.done $0x0  }
0x36: {  	s20 =	sshra.s32 s20, $0x2;
	[sflag:s13] =	ssyncadd.s32 $0xFFFFC000  }
0x37: {  	[tilespmem:s16], [sflag:$0x1] =	stream.indirect.gather [hbm4b:s1+s15], $0x80, s20, s15, $0xb8;
	[tilespmem:$0x1D000] =	vst v63  }
0x38: {  	_ =	swait.ge [sflag:s17], $0x4000  }
0x39: {  	[sflag:s17] =	ssyncset.done $0x0  }
0x3a: {  	s20 =	sadd.s32 $0x2800, s20;
	[sflag:s17] =	ssyncadd.s32 $0xFFFFC000  }
0x3b: {  	[spmem:s3] =	stream.indirect.scatter.add.f32 [tilespmem:s16], [sflag:$0x2], $0x80, s20, s15, $0xb8;
	[tilespmem:$0x1D000] =	vst v63  }
.Ltmp3:
0x3c: {  	_ =	swait.ge [sflag:s13], $0x4000;
	(pc) =	sbr.rel @!p0 .LBB2_4-.Ltmp3, $3  }
0x3d: {  	[sflag:s13] =	ssyncset.done $0x0  }
0x3e: {  	[sflag:s13] =	ssyncadd.s32 $0xFFFFC000  }
0x3f: {  	[bflag:$0x0] =	sbarrier.arrive $0xFFFF;
	_ =	sdelay $0x1  }
0x40: {  	[hbm:s10], [sflag:s6] =	dma.local @!p1 [spmem:s18], $0x2800  }
.Ltmp4:
0x41: {  	_ = 	snop;
	(pc) =	sbr.rel @p2 .LBB2_7-.Ltmp4, $4  }
.Ltmp5:
0x42: {  	s20 =	simm.s32 @!p1 $0x2;
	(pc) =	sbr.rel @!p2 .LBB2_6-.Ltmp5, $4  }
0x43: {  	_ =	swait.ge @!p1 [sflag:s20], $0x2800  }
0x44: {  	[sflag:s20] =	ssyncset.done @!p1 $0x0  }
0x45: {  	[sflag:s20] =	ssyncadd.s32 @!p1 $0xFFFFD800;
	s20 =	smov.u32 s10  }
0x46: {  	_ = 	snop  }
.LBB2_4:
0x47: {  	[hbm:s9], [sflag:s6] =	dma.local @!p1 [spmem:s18], $0x2800  }
.Ltmp6:
0x48: {  	_ = 	snop;
	(pc) =	sbr.rel @p3 .LBB2_6-.Ltmp6, $4  }
.Ltmp7:
0x49: {  	s20 =	simm.s32 @!p1 $0x2;
	(pc) =	sbr.rel @!p3 .LBB2_7-.Ltmp7, $4  }
0x4a: {  	_ =	swait.ge @!p1 [sflag:s20], $0x2800  }
0x4b: {  	[sflag:s20] =	ssyncset.done @!p1 $0x0  }
0x4c: {  	[sflag:s20] =	ssyncadd.s32 @!p1 $0xFFFFD800;
	s20 =	smov.u32 s9  }
0x4d: {  	_ = 	snop  }
.LBB2_8:
0x4e: {  	_ =	sfence.sel $0x180000  }
0x4f: {  	[bflag:$0x0] =	sbarrier.arrive $0xFFFF  }
0x50: {  	p0 =	sne.s32 s0, $0x0;
	_ =	strace $0x9000004A  }
0x51: {  	s0 =	sadd.s32 @!p0 $0x100000, s2;
	[bflag:$0x2] =	sbarrier.arrive $0xFFFF  }
0x52: {  	[sflag:s0] =	ssyncadd.tile.s32 @!p0 $0x1;
	_ =	shalt  }
.Lfunc_end2:
_tile_overlayer_lowered:
.L_overlay_start_2:
0x53: {  	(tag) =	ssettag $0x2  }
0x54: {  	s0 =	rddreg [dreg:$0x0];
	s2 =	stileid.u32  }
0x55: {  	s1 =	rddreg [dreg:$0x1];
	p0 =	sne.s32 s2, $0x0  }
0x56: {  	s3 =	rddreg [dreg:$0x2];
	[bflag:$0x3] =	sbarrier.arrive $0xFFFF;
	s2 =	simm.s32 @!p0 $0x1C02  }
0x57: {  	[timem:s3], [sflag:s2] =	dma.local @!p0 [hbm:s0], s1  }
0x58: {  	s0 =	simm.s32 @!p0 $0x2  }
0x59: {  	_ =	swait.ge @!p0 [sflag:s0], s1  }
0x5a: {  	s1 =	ssub.s32 @!p0 $0x0, s1;
	[sflag:s0] =	ssyncset.done @!p0 $0x0  }
0x5b: {  	[sflag:s0] =	ssyncadd.s32 @!p0 s1  }
0x5c: {  	[bflag:$0x3] =	sbarrier.arrive $0xFFFF  }
0x5d: {  	_ =	shalt  }

// kernel: kernel.14.cloned.1.call-start
scs
__scs_entry_jumppad:
0x0: {  	(pc) =	sbr.rel $0x88, $3  }
0x1: {  	(tag) =	ssettag $0x0;
	lr =	simm.s32 $0x1  }
0x2: {  	[smem:$0x3F99] =	sst lr;
	_ =	strace $0xD0000000  }
0x3: {  	_ = 	snop  }
0x4: {  	_ = 	snop  }
0x5: {  	_ = 	snop  }
0x6: {  	_ = 	snop  }
0x7: {  	_ = 	snop  }
__scs_overlays_trampoline_lowered:
0x8: {  	[smem:$0x3FA8] =	sst s0  }
0x9: {  	[smem:$0x3FA9] =	sst s1  }
0xa: {  	[smem:$0x3FAA] =	sst s2  }
0xb: {  	[smem:$0x3FAB] =	sst s3  }
0xc: {  	[smem:$0x3FAC] =	sst s4  }
0xd: {  	[smem:$0x3FAD] =	sst s5  }
0xe: {  	[smem:$0x3FAE] =	sst s6  }
0xf: {  	[smem:$0x3FAF] =	sst s7  }
0x10: {  	[smem:$0x3FB0] =	sst s8  }
0x11: {  	[smem:$0x3FB1] =	sst s9;
	s0 =	simm.s32 @!p0 $0x0  }
0x12: {  	s1 =	sld [smem:$0x3F97];
	s0 =	simm.s32 @p0 $0x1  }
0x13: {  	[smem:$0x3FB2] =	sst s0;
	s0 =	simm.s32 @!p1 $0x0  }
0x14: {  	s2 =	sld [smem:$0x3F96];
	s0 =	simm.s32 @p1 $0x1  }
0x15: {  	[smem:$0x3FB3] =	sst s0;
	s0 =	simm.s32 @!p2 $0x0  }
0x16: {  	s3 =	sld [smem:$0x3FDB];
	s0 =	simm.s32 @p2 $0x1  }
0x17: {  	s4 =	simm.s32 $0x1BF5;
	[smem:$0x3FB5] =	sst s0  }
0x18: {  	s0 =	sld [smem:$0x3F98];
	_ =	swait.ge [sflag:s4], $0x0  }
0x19: {  	s7 =	sld [smem:$0x3F99]  }
0x1a: {  	s8 =	sadd.s32 $0xFFFFE003, lr  }
0x1b: {  	s9 =	sadd.s32 $0xFFFFFEF7, lr;
	s5 =	simm.s32 $0xFFFFFFFF;
	p2 =	slt.u32 s8, $0xFFFFF086  }
0x1c: {  	p1 =	slt.u32 s9, $0xF7A;
	s5 =	simm.s32 @!p2 $0x0  }
0x1d: {  	s5 =	simm.s32 @p1 $0x1;
	p0 =	seq.s32 s7, s2  }
0x1e: {  	s7 =	smul.u32 @!p0 $0xF7A, s2;
	p2 =	seq.s32 @!p0 s5, $0x0  }
0x1f: {  	s9 =	smul.u32 $0xF7A, s1;
	s8 =	simm.s32 @!p0 $0x1BF5;
	p2 =	por !p2, p0  }
0x20: {  	[sflag:s8] =	ssyncset.s32 @!p0 $0xFFFFF086;
	s6 =	sadd.s32 @!p0 s3, s7;
	s7 =	simm.s32 @!p0 $0x108  }
0x21: {  	s3 =	sadd.s32 s3, s9;
	s6 =	sadd.s32 @!p0 $0x88, s6;
	s7 =	simm.s32 @p2 $0x1082  }
0x22: {  	[simem:s7], [sflag:s8] =	dma.local @!p0 [hbm:s6], $0xF7A  }
0x23: {  	s9 =	sor.u32 $0xD0000000, s2;
	s6 =	simm.s32 $0x108;
	_ =	swait.ge @!p0 [sflag:s8], $0x0  }
0x24: {  	s3 =	sadd.s32 $0x88, s3;
	s6 =	simm.s32 @!p1 $0x1082;
	[sflag:s4] =	ssyncset.s32 $0xFFFFF086  }
0x25: {  	[simem:s6], [sflag:s4] =	dma.local [hbm:s3], $0xF7A  }
0x26: {  	[smem:$0x3F99] =	sst s1;
	(tag) =	ssettag s2;
	_ =	strace s9  }
0x27: {  	s1 =	sld [smem:$0x3FA9]  }
0x28: {  	s2 =	sld [smem:$0x3FAA]  }
0x29: {  	s4 =	sld [smem:$0x3FAC]  }
0x2a: {  	p0 =	seq.s32 s5, $0x0;
	s5 =	sld [smem:$0x3FAD]  }
0x2b: {  	s6 =	sld [smem:$0x3FAE]  }
0x2c: {  	s7 =	sld [smem:$0x3FAF]  }
0x2d: {  	s3 =	simm.s32 $0x108;
	s8 =	sld [smem:$0x3FB0]  }
0x2e: {  	s3 =	simm.s32 @!p0 $0x1082;
	s9 =	sld [smem:$0x3FB1]  }
0x2f: {  	lr =	sadd.s32 s0, s3;
	s0 =	sld [smem:$0x3FA8]  }
0x30: {  	s3 =	sld [smem:$0x3FAB]  }
0x31: {  	[smem:$0x3FB4] =	sst s10  }
0x32: {  	s10 =	sld [smem:$0x3FB2];
	_ =	sdelay $0x3  }
0x33: {  	p0 =	seq.s32 s10, $0x1;
	s10 =	sld [smem:$0x3FB4];
	_ =	sdelay $0x3  }
0x34: {  	[smem:$0x3FB4] =	sst s10  }
0x35: {  	s10 =	sld [smem:$0x3FB3];
	_ =	sdelay $0x3  }
0x36: {  	p1 =	seq.s32 s10, $0x1;
	s10 =	sld [smem:$0x3FB4];
	_ =	sdelay $0x3  }
0x37: {  	[smem:$0x3FB4] =	sst s10  }
0x38: {  	s10 =	sld [smem:$0x3FB5]  }
0x39: {  	_ = 	snop;
	(pc) =	sbr.ind lr, $3  }
0x3a: {  	_ = 	snop  }
0x3b: {  	_ = 	snop  }
0x3c: {  	p2 =	seq.s32 s10, $0x1;
	s10 =	sld [smem:$0x3FB4]  }
0x3d: {  	_ =	shalt  }
0x3e: {  	_ =	shalt  }
0x3f: {  	_ =	shalt  }
0x40: {  	_ =	shalt  }
0x41: {  	_ =	shalt  }
0x42: {  	_ =	shalt  }
0x43: {  	_ =	shalt  }
0x44: {  	_ =	shalt  }
0x45: {  	_ =	shalt  }
0x46: {  	_ =	shalt  }
0x47: {  	_ =	shalt  }
0x48: {  	_ =	shalt  }
0x49: {  	_ =	shalt  }
0x4a: {  	_ =	shalt  }
0x4b: {  	_ =	shalt  }
0x4c: {  	_ =	shalt  }
0x4d: {  	_ =	shalt  }
0x4e: {  	_ =	shalt  }
0x4f: {  	_ =	shalt  }
0x50: {  	_ =	shalt  }
0x51: {  	_ =	shalt  }
0x52: {  	_ =	shalt  }
0x53: {  	_ =	shalt  }
0x54: {  	_ =	shalt  }
0x55: {  	_ =	shalt  }
0x56: {  	_ =	shalt  }
0x57: {  	_ =	shalt  }
0x58: {  	_ =	shalt  }
0x59: {  	_ =	shalt  }
0x5a: {  	_ =	shalt  }
0x5b: {  	_ =	shalt  }
0x5c: {  	_ =	shalt  }
0x5d: {  	_ =	shalt  }
0x5e: {  	_ =	shalt  }
0x5f: {  	_ =	shalt  }
0x60: {  	_ =	shalt  }
0x61: {  	_ =	shalt  }
0x62: {  	_ =	shalt  }
0x63: {  	_ =	shalt  }
0x64: {  	_ =	shalt  }
0x65: {  	_ =	shalt  }
0x66: {  	_ =	shalt  }
0x67: {  	_ =	shalt  }
0x68: {  	_ =	shalt  }
0x69: {  	_ =	shalt  }
0x6a: {  	_ =	shalt  }
0x6b: {  	_ =	shalt  }
0x6c: {  	_ =	shalt  }
0x6d: {  	_ =	shalt  }
0x6e: {  	_ =	shalt  }
0x6f: {  	_ =	shalt  }
0x70: {  	_ =	shalt  }
0x71: {  	_ =	shalt  }
0x72: {  	_ =	shalt  }
0x73: {  	_ =	shalt  }
0x74: {  	_ =	shalt  }
0x75: {  	_ =	shalt  }
0x76: {  	_ =	shalt  }
0x77: {  	_ =	shalt  }
0x78: {  	_ =	shalt  }
0x79: {  	_ =	shalt  }
0x7a: {  	_ =	shalt  }
0x7b: {  	_ =	shalt  }
0x7c: {  	_ =	shalt  }
0x7d: {  	_ =	shalt  }
0x7e: {  	_ =	shalt  }
0x7f: {  	_ =	shalt  }
0x80: {  	_ =	shalt  }
0x81: {  	_ =	shalt  }
0x82: {  	_ =	shalt  }
0x83: {  	_ =	shalt  }
0x84: {  	_ =	shalt  }
0x85: {  	_ =	shalt  }
0x86: {  	_ =	shalt  }
0x87: {  	_ =	shalt  }
.Lfunc_end0:
.L_simem_size_0:
called_computation.2_lowered:
.L_overlay_start_0:
0x88: {  	s2 =	sld [smem:$0x3FD9]  }
0x89: {  	s3 =	sld [smem:$0x3FFE];
	_ =	sdelay $0x1  }
0x8a: {  	s1 =	srdreg.scid  }
0x8b: {  	s0 =	sand.u32 $0x1, s1  }
0x8c: {  	s17 =	sshll.u32 s0, $0xA;
	s2 =	sadd.s32 s3, s2  }
0x8d: {  	s2 =	sadd.s32 s2, s17  }
0x8e: {  	[smem:$0x3FC0] =	sst s2  }
0x8f: {  	_ = 	snop  }
0x90: {  	s2 =	sld [smem:$0x3FD0];
	(tm) =	ssettm $0x1  }
0x91: {  	s18 =	sld [smem:$0x3FFB];
	_ =	sdelay $0x3  }
0x92: {  	_ =	strace s18  }
0x93: {  	s3 =	sld [smem:$0x3FFC];
	_ =	sdelay $0x3  }
0x94: {  	_ =	strace s3  }
0x95: {  	s3 =	sld [smem:$0x3FFD];
	_ =	sdelay $0x3  }
0x96: {  	_ =	strace s3  }
0x97: {  	_ =	strace $0x8FFFFFFF  }
0x98: {  	s19 =	sld [smem:$0x3FDB];
	_ =	sdelay $0x1  }
0x99: {  	s4 =	simm.s32 $_scs_section_size  }
0x9a: {  	s5 =	simm.s32 $_size__tile_overlayer_lowered;
	s6 =	simm.s32 $_tile_overlayer_lowered  }
0x9b: {  	s22 =	simm.s32 $0x1BFF;
	s21 =	sshll.u32 s6, $0x1;
	s3 =	sadd.s32 s4, s19  }
0x9c: {  	s7 =	simm.s32 $0x0;
	s20 =	sshll.u32 s5, $0x1;
	s5 =	sadd.s32 s21, s3  }
0x9d: {  	[timem:s7], [sflag:s22] =	dma.local [hbm:s5], s20  }
0x9e: {  	_ =	swait.ge [sflag:s22], s20  }
0x9f: {  	s4 =	ssub.s32 $0x0, s20;
	[sflag:s22] =	ssyncset.done $0x0  }
0xa0: {  	[sflag:s22] =	ssyncadd.s32 s4;
	_ =	sdelay $0x1  }
0xa1: {  	s23 =	simm.s32 $0x1B8B  }
0xa2: {  	_ =	swait.ge [sflag:s23], $0x1  }
0xa3: {  	[sflag:s23] =	ssyncset.done $0x0  }
0xa4: {  	s25 =	simm.s32 $0x1B8E;
	s24 =	sld [smem:$0x3FFE];
	[sflag:s23] =	ssyncadd.s32 $0xFFFFFFFF  }
0xa5: {  	s26 =	simm.s32 $execute0_lowered;
	[smem:$0x3FD2] =	sst s25  }
0xa6: {  	s5 =	sshll.u32 s26, $0x1;
	_ =	strace $0x8000004C;
	[dreg:$0x1] =	wrdreg $0xFFFFFFFF  }
0xa7: {  	s28 =	simm.s32 $_size_execute0_lowered;
	s3 =	sadd.s32 s3, s5;
	[dreg:$0x0] =	wrdreg $0x0  }
0xa8: {  	s5 =	sshll.u32 s28, $0x1;
	[dreg:$0x2] =	wrdreg s3  }
0xa9: {  	[dreg:$0x3] =	wrdreg s5  }
0xaa: {  	[dreg:$0x4] =	wrdreg $0xC0  }
0xab: {  	_ =	task [dreg:s7], $0x5FFFF  }
0xac: {  	[dreg:$0x1] =	wrdreg $0xFFFFFFFF  }
0xad: {  	[dreg:$0x0] =	wrdreg $0x60  }
0xae: {  	[dreg:$0x2] =	wrdreg s2  }
0xaf: {  	[dreg:$0x3] =	wrdreg s24  }
0xb0: {  	[dreg:$0x4] =	wrdreg $0x90000  }
0xb1: {  	[dreg:$0x5] =	wrdreg $0x9  }
0xb2: {  	_ =	task.clear_ibuf [dreg:s7], $0x6FFFF;
	_ =	strace $0x9000004C  }
0xb3: {  	s29 =	simm.s32 $0x9;
	_ =	strace $0x8000004E  }
0xb4: {  	_ =	swait.ge [sflag:s29], $0x1  }
0xb5: {  	[sflag:s29] =	ssyncadd.s32 $0xFFFFFFFF  }
0xb6: {  	_ =	strace $0x9000004E  }
0xb7: {  	_ =	sfence  }
0xb8: {  	s30 =	sld [smem:$0x0];
	_ =	sdelay $0x2  }
0xb9: {  	s31 =	sshll.u32 s1, $0xD;
	s1 =	sshrl.u32 s1, $0x2  }
0xba: {  	s3 =	sand.u32 $0x4000, s31;
	s1 =	sadd.s32 s1, s30  }
0xbb: {  	s0 =	sor.u32 s3, s0;
	s1 =	sshll.u32 s1, $0x11  }
0xbc: {  	s0 =	sor.u32 s1, s0  }
0xbd: {  	s0 =	sadd.s32 $0x8F2B, s0  }
0xbe: {  	[sflag:s0] =	ssyncadd.remote.s32 $0x1  }
0xbf: {  	_ =	sfence.sel $0xFFFF  }
0xc0: {  	[dreg:$0x0] =	wrdreg $0xFFFFFFFF;
	(pc) =	sbr.abs _section_cstart, $3  }
0xc1: {  	[dreg:$0x1] =	wrdreg $0xFFFFFFFF  }
0xc2: {  	_ =	task.clear_ibuf [dreg:s7], $0x2FFFF;
	_ =	strace $0x9FFFFFFF  }
0xc3: {  	(tm) =	ssettm $0x7FFFFFFF  }
tec
execute0_lowered:
.L_overlay_start_1:
0x0: {  	(tag) =	ssettag $0x1  }
0x1: {  	s1 =	rddreg [dreg:$0x0];
	s2 =	srdreg.scid  }
0x2: {  	s0 =	stileid.u32;
	s6 =	rddreg [dreg:$0x1]  }
0x3: {  	s3 =	rddreg [dreg:$0x2];
	s4 =	simm.s32 $0x0;
	s14 =	simm.s32 $0x2800  }
0x4: {  	s15 =	simm.s32 $0x80;
	s17 =	simm.s32 $0x1;
	s19 =	simm.s32 $0x0  }
0x5: {  	s9 =	sand.u32 $0x1, s2;
	s2 =	rddreg [dreg:$0x3];
	s7 =	smul.u32 $0x2800, s0  }
0x6: {  	s28 =	sshll.u32 s0, $0x1;
	[smem:$0x7FF] =	sst s4;
	s11 =	smul.u32 $0x50000, s0  }
0x7: {  	s16 =	smul.u32 $0xFFFFFD80, s0;
	s31 =	sshll.u32 s0, $0x6;
	p2 =	sne.s32 s0, $0xF  }
0x8: {  	p3 =	seq.s32 s0, $0xF;
	s5 =	sor.u32 s9, s28;
	_ =	strace $0x8000004D  }
0x9: {  	s10 =	ssub.s32 $0x2, s9;
	s5 =	smul.u32 $0x500, s5;
	s12 =	sadd.s32 s7, s6  }
0xa: {  	s29 =	sshrl.u32 s10, $0x1;
	s30 =	sshrl.u32 s11, $0x2;
	p0 =	slt.s32 s16, $0xFFFFDB70  }
0xb: {  	s13 =	ssub.s32 s10, s29;
	s18 =	sadd.s32 s30, s3;
	s16 =	simm.s32 @!p0 $0xFFFFDB70  }
.Ltmp0:
0xc: {  	p0 =	seq.s32 s9, $0x1;
	s9 =	sadd.s32 $0x25200, s12;
	(pc) =	sbr.rel .LBB2_1-.Ltmp0, $4  }
0xd: {  	s10 =	sadd.s32 $0x4C400, s12;
	s8 =	sadd.s32 s5, s6;
	s5 =	sadd.s32 $0x22A00, s6  }
0xe: {  	s6 =	sor.u32 $0x1C02, s31;
	s11 =	smax.u32 s13, $0x1;
	s12 =	sshrl.u32 s18, $0x3  }
0xf: {  	s13 =	simm.s32 $0x2;
	p1 =	sne.s32 s16, $0xFFFFDB70;
	s16 =	simm.s32 $0x5000  }
0x10: {  	s7 =	sadd.s32 $0xE000, s8;
	s8 =	sadd.s32 $0x18000, s8;
	s18 =	sshrl.u32 @!p1 s18, $0x3  }
.LBB2_6:
0x11: {  	[hbm:s20], [sflag:s6] =	dma.local [spmem:s12], $0x1900  }
0x12: {  	_ =	swait.ge [sflag:s13], $0x1900  }
0x13: {  	[sflag:s13] =	ssyncset.done $0x0  }
0x14: {  	[sflag:s13] =	ssyncadd.s32 $0xFFFFE700  }
.LBB2_7:
0x15: {  	s19 =	sadd.s32 $0x1, s19  }
0x16: {  	p4 =	sne.s32 s19, s11  }
.Ltmp1:
0x17: {  	_ = 	snop;
	(pc) =	sbr.rel @!p4 .LBB2_8-.Ltmp1, $1  }
0x18: {  	_ =	sdelay $0x3  }
.LBB2_1:
0x19: {  	[spmem:s12], [sflag:s6] =	dma.local [hbm:s5], $0x2800  }
0x1a: {  	_ =	swait.ge [sflag:s13], $0x2800  }
0x1b: {  	[sflag:s13] =	ssyncset.done $0x0  }
0x1c: {  	[sflag:s13] =	ssyncadd.s32 $0xFFFFD800  }
0x1d: {  	[tilespmem:s4], [sflag:$0x2] =	stream.linear.gather [hbm4b:s7+s4], $0x2800, $0x38;
	[tilespmem:$0x1D000] =	vst v63  }
0x1e: {  	_ =	swait.ge [sflag:s13], $0x2800  }
0x1f: {  	[sflag:s13] =	ssyncset.done $0x0  }
0x20: {  	[sflag:s13] =	ssyncadd.s32 $0xFFFFD800  }
0x21: {  	[tilespmem:s14], [sflag:$0x2] =	stream.linear.gather [hbm4b:s8+s4], $0x2800, $0x38;
	[tilespmem:$0x1D000] =	vst v63  }
0x22: {  	_ =	swait.ge [sflag:s13], $0x2800  }
0x23: {  	[sflag:s13] =	ssyncset.done $0x0  }
0x24: {  	[sflag:s13] =	ssyncadd.s32 $0xFFFFD800  }
0x25: {  	s20 =	simm.s32 $0x0;
	[bflag:$0x0] =	sbarrier.arrive $0xFFFF  }
0x26: {  	[tilespmem:s16], [sflag:$0x1] =	stream.indirect.gather [hbm4b:s1+s15], $0x80, s20, s15, $0xb8;
	[tilespmem:$0x1D000] =	vst v63  }
0x27: {  	_ =	swait.ge [sflag:s17], $0x4000  }
0x28: {  	[sflag:s17] =	ssyncset.done $0x0  }
0x29: {  	s31 =	simm.s32 $0x2800;
	[sflag:s17] =	ssyncadd.s32 $0xFFFFC000  }
0x2a: {  	[spmem:s3] =	stream.indirect.scatter.add.f32 [tilespmem:s16], [sflag:$0x2], $0x80, s31, s15, $0xb8;
	[tilespmem:$0x1D000] =	vst v63  }
0x2b: {  	_ =	swait.ge [sflag:s13], $0x4000  }
0x2c: {  	s21 =	simm.s32 $0x400;
	s20 =	simm.s32 $0x200;
	[sflag:s13] =	ssyncset.done $0x0  }
.LBB2_2:
0x2d: {  	s22 =	sshra.s32 s20, $0x2  }
0x2e: {  	[sflag:s13] =	ssyncadd.s32 $0xFFFFC000;
	s20 =	smov.u32 s21;
	s23 =	sadd.s32 $0x200, s21  }
0x2f: {  	[tilespmem:s16], [sflag:$0x1] =	stream.indirect.gather [hbm4b:s1+s15], $0x80, s22, s15, $0xb8;
	[tilespmem:$0x1D000] =	vst v63  }
0x30: {  	p4 =	sne.s32 s21, $0x9E00;
	_ =	swait.ge [sflag:s17], $0x4000  }
.Ltmp2:
0x31: {  	[sflag:s17] =	ssyncset.done $0x0;
	(pc) =	sbr.rel @p4 .LBB2_2-.Ltmp2, $4  }
0x32: {  	s21 =	sadd.s32 $0x2800, s22;
	[sflag:s17] =	ssyncadd.s32 $0xFFFFC000  }
0x33: {  	[spmem:s3] =	stream.indirect.scatter.add.f32 [tilespmem:s16], [sflag:$0x2], $0x80, s21, s15, $0xb8;
	[tilespmem:$0x1D000] =	vst v63  }
0x34: {  	_ =	swait.ge [sflag:s13], $0x4000  }
0x35: {  	s21 =	smov.u32 s23;
	[sflag:s13] =	ssyncset.done $0x0  }
0x36: {  	s20 =	sshra.s32 s20, $0x2;
	[sflag:s13] =	ssyncadd.s32 $0xFFFFC000  }
0x37: {  	[tilespmem:s16], [sflag:$0x1] =	stream.indirect.gather [hbm4b:s1+s15], $0x80, s20, s15, $0xb8;
	[tilespmem:$0x1D000] =	vst v63  }
0x38: {  	_ =	swait.ge [sflag:s17], $0x4000  }
0x39: {  	[sflag:s17] =	ssyncset.done $0x0  }
0x3a: {  	s20 =	sadd.s32 $0x2800, s20;
	[sflag:s17] =	ssyncadd.s32 $0xFFFFC000  }
0x3b: {  	[spmem:s3] =	stream.indirect.scatter.add.f32 [tilespmem:s16], [sflag:$0x2], $0x80, s20, s15, $0xb8;
	[tilespmem:$0x1D000] =	vst v63  }
.Ltmp3:
0x3c: {  	_ =	swait.ge [sflag:s13], $0x4000;
	(pc) =	sbr.rel @!p0 .LBB2_4-.Ltmp3, $3  }
0x3d: {  	[sflag:s13] =	ssyncset.done $0x0  }
0x3e: {  	[sflag:s13] =	ssyncadd.s32 $0xFFFFC000  }
0x3f: {  	[bflag:$0x0] =	sbarrier.arrive $0xFFFF;
	_ =	sdelay $0x1  }
0x40: {  	[hbm:s10], [sflag:s6] =	dma.local @!p1 [spmem:s18], $0x2800  }
.Ltmp4:
0x41: {  	_ = 	snop;
	(pc) =	sbr.rel @p2 .LBB2_7-.Ltmp4, $4  }
.Ltmp5:
0x42: {  	s20 =	simm.s32 @!p1 $0x2;
	(pc) =	sbr.rel @!p2 .LBB2_6-.Ltmp5, $4  }
0x43: {  	_ =	swait.ge @!p1 [sflag:s20], $0x2800  }
0x44: {  	[sflag:s20] =	ssyncset.done @!p1 $0x0  }
0x45: {  	[sflag:s20] =	ssyncadd.s32 @!p1 $0xFFFFD800;
	s20 =	smov.u32 s10  }
0x46: {  	_ = 	snop  }
.LBB2_4:
0x47: {  	[hbm:s9], [sflag:s6] =	dma.local @!p1 [spmem:s18], $0x2800  }
.Ltmp6:
0x48: {  	_ = 	snop;
	(pc) =	sbr.rel @p3 .LBB2_6-.Ltmp6, $4  }
.Ltmp7:
0x49: {  	s20 =	simm.s32 @!p1 $0x2;
	(pc) =	sbr.rel @!p3 .LBB2_7-.Ltmp7, $4  }
0x4a: {  	_ =	swait.ge @!p1 [sflag:s20], $0x2800  }
0x4b: {  	[sflag:s20] =	ssyncset.done @!p1 $0x0  }
0x4c: {  	[sflag:s20] =	ssyncadd.s32 @!p1 $0xFFFFD800;
	s20 =	smov.u32 s9  }
0x4d: {  	_ = 	snop  }
.LBB2_8:
0x4e: {  	_ =	sfence.sel $0x180000  }
0x4f: {  	[bflag:$0x0] =	sbarrier.arrive $0xFFFF  }
0x50: {  	p0 =	sne.s32 s0, $0x0;
	_ =	strace $0x9000004D  }
0x51: {  	s0 =	sadd.s32 @!p0 $0x100000, s2;
	[bflag:$0x2] =	sbarrier.arrive $0xFFFF  }
0x52: {  	[sflag:s0] =	ssyncadd.tile.s32 @!p0 $0x1;
	_ =	shalt  }
.Lfunc_end2:
_tile_overlayer_lowered:
.L_overlay_start_2:
0x53: {  	(tag) =	ssettag $0x2  }
0x54: {  	s0 =	rddreg [dreg:$0x0];
	s2 =	stileid.u32  }
0x55: {  	s1 =	rddreg [dreg:$0x1];
	p0 =	sne.s32 s2, $0x0  }
0x56: {  	s3 =	rddreg [dreg:$0x2];
	[bflag:$0x3] =	sbarrier.arrive $0xFFFF;
	s2 =	simm.s32 @!p0 $0x1C02  }
0x57: {  	[timem:s3], [sflag:s2] =	dma.local @!p0 [hbm:s0], s1  }
0x58: {  	s0 =	simm.s32 @!p0 $0x2  }
0x59: {  	_ =	swait.ge @!p0 [sflag:s0], s1  }
0x5a: {  	s1 =	ssub.s32 @!p0 $0x0, s1;
	[sflag:s0] =	ssyncset.done @!p0 $0x0  }
0x5b: {  	[sflag:s0] =	ssyncadd.s32 @!p0 s1  }
0x5c: {  	[bflag:$0x3] =	sbarrier.arrive $0xFFFF  }
0x5d: {  	_ =	shalt  }

// kernel: kernel.8.cloned.1.call-start
scs
__scs_entry_jumppad:
0x0: {  	(pc) =	sbr.rel $0x88, $3  }
0x1: {  	(tag) =	ssettag $0x0;
	lr =	simm.s32 $0x1  }
0x2: {  	[smem:$0x3F99] =	sst lr;
	_ =	strace $0xD0000000  }
0x3: {  	_ = 	snop  }
0x4: {  	_ = 	snop  }
0x5: {  	_ = 	snop  }
0x6: {  	_ = 	snop  }
0x7: {  	_ = 	snop  }
__scs_overlays_trampoline_lowered:
0x8: {  	[smem:$0x3FA8] =	sst s0  }
0x9: {  	[smem:$0x3FA9] =	sst s1  }
0xa: {  	[smem:$0x3FAA] =	sst s2  }
0xb: {  	[smem:$0x3FAB] =	sst s3  }
0xc: {  	[smem:$0x3FAC] =	sst s4  }
0xd: {  	[smem:$0x3FAD] =	sst s5  }
0xe: {  	[smem:$0x3FAE] =	sst s6  }
0xf: {  	[smem:$0x3FAF] =	sst s7  }
0x10: {  	[smem:$0x3FB0] =	sst s8  }
0x11: {  	[smem:$0x3FB1] =	sst s9;
	s0 =	simm.s32 @!p0 $0x0  }
0x12: {  	s1 =	sld [smem:$0x3F97];
	s0 =	simm.s32 @p0 $0x1  }
0x13: {  	[smem:$0x3FB2] =	sst s0;
	s0 =	simm.s32 @!p1 $0x0  }
0x14: {  	s2 =	sld [smem:$0x3F96];
	s0 =	simm.s32 @p1 $0x1  }
0x15: {  	[smem:$0x3FB3] =	sst s0;
	s0 =	simm.s32 @!p2 $0x0  }
0x16: {  	s3 =	sld [smem:$0x3FDB];
	s0 =	simm.s32 @p2 $0x1  }
0x17: {  	s4 =	simm.s32 $0x1BF5;
	[smem:$0x3FB5] =	sst s0  }
0x18: {  	s0 =	sld [smem:$0x3F98];
	_ =	swait.ge [sflag:s4], $0x0  }
0x19: {  	s7 =	sld [smem:$0x3F99]  }
0x1a: {  	s8 =	sadd.s32 $0xFFFFE003, lr  }
0x1b: {  	s9 =	sadd.s32 $0xFFFFFEF7, lr;
	s5 =	simm.s32 $0xFFFFFFFF;
	p2 =	slt.u32 s8, $0xFFFFF086  }
0x1c: {  	p1 =	slt.u32 s9, $0xF7A;
	s5 =	simm.s32 @!p2 $0x0  }
0x1d: {  	s5 =	simm.s32 @p1 $0x1;
	p0 =	seq.s32 s7, s2  }
0x1e: {  	s7 =	smul.u32 @!p0 $0xF7A, s2;
	p2 =	seq.s32 @!p0 s5, $0x0  }
0x1f: {  	s9 =	smul.u32 $0xF7A, s1;
	s8 =	simm.s32 @!p0 $0x1BF5;
	p2 =	por !p2, p0  }
0x20: {  	[sflag:s8] =	ssyncset.s32 @!p0 $0xFFFFF086;
	s6 =	sadd.s32 @!p0 s3, s7;
	s7 =	simm.s32 @!p0 $0x108  }
0x21: {  	s3 =	sadd.s32 s3, s9;
	s6 =	sadd.s32 @!p0 $0x88, s6;
	s7 =	simm.s32 @p2 $0x1082  }
0x22: {  	[simem:s7], [sflag:s8] =	dma.local @!p0 [hbm:s6], $0xF7A  }
0x23: {  	s9 =	sor.u32 $0xD0000000, s2;
	s6 =	simm.s32 $0x108;
	_ =	swait.ge @!p0 [sflag:s8], $0x0  }
0x24: {  	s3 =	sadd.s32 $0x88, s3;
	s6 =	simm.s32 @!p1 $0x1082;
	[sflag:s4] =	ssyncset.s32 $0xFFFFF086  }
0x25: {  	[simem:s6], [sflag:s4] =	dma.local [hbm:s3], $0xF7A  }
0x26: {  	[smem:$0x3F99] =	sst s1;
	(tag) =	ssettag s2;
	_ =	strace s9  }
0x27: {  	s1 =	sld [smem:$0x3FA9]  }
0x28: {  	s2 =	sld [smem:$0x3FAA]  }
0x29: {  	s4 =	sld [smem:$0x3FAC]  }
0x2a: {  	p0 =	seq.s32 s5, $0x0;
	s5 =	sld [smem:$0x3FAD]  }
0x2b: {  	s6 =	sld [smem:$0x3FAE]  }
0x2c: {  	s7 =	sld [smem:$0x3FAF]  }
0x2d: {  	s3 =	simm.s32 $0x108;
	s8 =	sld [smem:$0x3FB0]  }
0x2e: {  	s3 =	simm.s32 @!p0 $0x1082;
	s9 =	sld [smem:$0x3FB1]  }
0x2f: {  	lr =	sadd.s32 s0, s3;
	s0 =	sld [smem:$0x3FA8]  }
0x30: {  	s3 =	sld [smem:$0x3FAB]  }
0x31: {  	[smem:$0x3FB4] =	sst s10  }
0x32: {  	s10 =	sld [smem:$0x3FB2];
	_ =	sdelay $0x3  }
0x33: {  	p0 =	seq.s32 s10, $0x1;
	s10 =	sld [smem:$0x3FB4];
	_ =	sdelay $0x3  }
0x34: {  	[smem:$0x3FB4] =	sst s10  }
0x35: {  	s10 =	sld [smem:$0x3FB3];
	_ =	sdelay $0x3  }
0x36: {  	p1 =	seq.s32 s10, $0x1;
	s10 =	sld [smem:$0x3FB4];
	_ =	sdelay $0x3  }
0x37: {  	[smem:$0x3FB4] =	sst s10  }
0x38: {  	s10 =	sld [smem:$0x3FB5]  }
0x39: {  	_ = 	snop;
	(pc) =	sbr.ind lr, $3  }
0x3a: {  	_ = 	snop  }
0x3b: {  	_ = 	snop  }
0x3c: {  	p2 =	seq.s32 s10, $0x1;
	s10 =	sld [smem:$0x3FB4]  }
0x3d: {  	_ =	shalt  }
0x3e: {  	_ =	shalt  }
0x3f: {  	_ =	shalt  }
0x40: {  	_ =	shalt  }
0x41: {  	_ =	shalt  }
0x42: {  	_ =	shalt  }
0x43: {  	_ =	shalt  }
0x44: {  	_ =	shalt  }
0x45: {  	_ =	shalt  }
0x46: {  	_ =	shalt  }
0x47: {  	_ =	shalt  }
0x48: {  	_ =	shalt  }
0x49: {  	_ =	shalt  }
0x4a: {  	_ =	shalt  }
0x4b: {  	_ =	shalt  }
0x4c: {  	_ =	shalt  }
0x4d: {  	_ =	shalt  }
0x4e: {  	_ =	shalt  }
0x4f: {  	_ =	shalt  }
0x50: {  	_ =	shalt  }
0x51: {  	_ =	shalt  }
0x52: {  	_ =	shalt  }
0x53: {  	_ =	shalt  }
0x54: {  	_ =	shalt  }
0x55: {  	_ =	shalt  }
0x56: {  	_ =	shalt  }
0x57: {  	_ =	shalt  }
0x58: {  	_ =	shalt  }
0x59: {  	_ =	shalt  }
0x5a: {  	_ =	shalt  }
0x5b: {  	_ =	shalt  }
0x5c: {  	_ =	shalt  }
0x5d: {  	_ =	shalt  }
0x5e: {  	_ =	shalt  }
0x5f: {  	_ =	shalt  }
0x60: {  	_ =	shalt  }
0x61: {  	_ =	shalt  }
0x62: {  	_ =	shalt  }
0x63: {  	_ =	shalt  }
0x64: {  	_ =	shalt  }
0x65: {  	_ =	shalt  }
0x66: {  	_ =	shalt  }
0x67: {  	_ =	shalt  }
0x68: {  	_ =	shalt  }
0x69: {  	_ =	shalt  }
0x6a: {  	_ =	shalt  }
0x6b: {  	_ =	shalt  }
0x6c: {  	_ =	shalt  }
0x6d: {  	_ =	shalt  }
0x6e: {  	_ =	shalt  }
0x6f: {  	_ =	shalt  }
0x70: {  	_ =	shalt  }
0x71: {  	_ =	shalt  }
0x72: {  	_ =	shalt  }
0x73: {  	_ =	shalt  }
0x74: {  	_ =	shalt  }
0x75: {  	_ =	shalt  }
0x76: {  	_ =	shalt  }
0x77: {  	_ =	shalt  }
0x78: {  	_ =	shalt  }
0x79: {  	_ =	shalt  }
0x7a: {  	_ =	shalt  }
0x7b: {  	_ =	shalt  }
0x7c: {  	_ =	shalt  }
0x7d: {  	_ =	shalt  }
0x7e: {  	_ =	shalt  }
0x7f: {  	_ =	shalt  }
0x80: {  	_ =	shalt  }
0x81: {  	_ =	shalt  }
0x82: {  	_ =	shalt  }
0x83: {  	_ =	shalt  }
0x84: {  	_ =	shalt  }
0x85: {  	_ =	shalt  }
0x86: {  	_ =	shalt  }
0x87: {  	_ =	shalt  }
.Lfunc_end0:
.L_simem_size_0:
called_computation_lowered:
.L_overlay_start_0:
0x88: {  	s2 =	sld [smem:$0x3FD9]  }
0x89: {  	s3 =	sld [smem:$0x3FFE];
	_ =	sdelay $0x1  }
0x8a: {  	s1 =	srdreg.scid  }
0x8b: {  	s0 =	sand.u32 $0x1, s1  }
0x8c: {  	s16 =	sshll.u32 s0, $0xA;
	s2 =	sadd.s32 s3, s2  }
0x8d: {  	s2 =	sadd.s32 s2, s16  }
0x8e: {  	[smem:$0x3FC0] =	sst s2  }
0x8f: {  	_ = 	snop  }
0x90: {  	(tm) =	ssettm $0x1  }
0x91: {  	s17 =	sld [smem:$0x3FFB];
	_ =	sdelay $0x3  }
0x92: {  	_ =	strace s17  }
0x93: {  	s2 =	sld [smem:$0x3FFC];
	_ =	sdelay $0x3  }
0x94: {  	_ =	strace s2  }
0x95: {  	s2 =	sld [smem:$0x3FFD];
	_ =	sdelay $0x3  }
0x96: {  	_ =	strace s2  }
0x97: {  	_ =	strace $0x8FFFFFFF  }
0x98: {  	s18 =	sld [smem:$0x3FDB];
	_ =	sdelay $0x1  }
0x99: {  	s19 =	simm.s32 $_scs_section_size  }
0x9a: {  	s4 =	simm.s32 $_size__tile_overlayer_lowered;
	s5 =	simm.s32 $_tile_overlayer_lowered  }
0x9b: {  	s22 =	simm.s32 $0x1BFF;
	s21 =	sshll.u32 s5, $0x1;
	s2 =	sadd.s32 s19, s18  }
0x9c: {  	s6 =	simm.s32 $0x0;
	s20 =	sshll.u32 s4, $0x1;
	s4 =	sadd.s32 s21, s2  }
0x9d: {  	[timem:s6], [sflag:s22] =	dma.local [hbm:s4], s20  }
0x9e: {  	_ =	swait.ge [sflag:s22], s20  }
0x9f: {  	s3 =	ssub.s32 $0x0, s20;
	[sflag:s22] =	ssyncset.done $0x0  }
0xa0: {  	[sflag:s22] =	ssyncadd.s32 s3;
	_ =	sdelay $0x1  }
0xa1: {  	s23 =	simm.s32 $0x1B8B  }
0xa2: {  	_ =	swait.ge [sflag:s23], $0x1  }
0xa3: {  	[sflag:s23] =	ssyncset.done $0x0  }
0xa4: {  	s25 =	simm.s32 $0x1B8E;
	s24 =	sld [smem:$0x3FFE];
	[sflag:s23] =	ssyncadd.s32 $0xFFFFFFFF  }
0xa5: {  	s26 =	simm.s32 $execute0_lowered;
	[smem:$0x3FD2] =	sst s25  }
0xa6: {  	s4 =	sshll.u32 s26, $0x1;
	_ =	strace $0x80000046;
	[dreg:$0x1] =	wrdreg $0xFFFFFFFF  }
0xa7: {  	s28 =	simm.s32 $_size_execute0_lowered;
	s2 =	sadd.s32 s2, s4;
	[dreg:$0x0] =	wrdreg $0x0  }
0xa8: {  	s4 =	sshll.u32 s28, $0x1;
	[dreg:$0x2] =	wrdreg s2  }
0xa9: {  	[dreg:$0x3] =	wrdreg s4  }
0xaa: {  	[dreg:$0x4] =	wrdreg $0xC0  }
0xab: {  	_ =	task [dreg:s6], $0x5FFFF  }
0xac: {  	[dreg:$0x1] =	wrdreg $0xFFFFFFFF  }
0xad: {  	[dreg:$0x0] =	wrdreg $0x60  }
0xae: {  	[dreg:$0x2] =	wrdreg s24  }
0xaf: {  	[dreg:$0x3] =	wrdreg $0xA5000  }
0xb0: {  	[dreg:$0x4] =	wrdreg $0xA7800  }
0xb1: {  	[dreg:$0x5] =	wrdreg $0x9  }
0xb2: {  	_ =	task.clear_ibuf [dreg:s6], $0x6FFFF;
	_ =	strace $0x90000046  }
0xb3: {  	s29 =	simm.s32 $0x9;
	_ =	strace $0x80000048  }
0xb4: {  	_ =	swait.ge [sflag:s29], $0x1  }
0xb5: {  	[sflag:s29] =	ssyncadd.s32 $0xFFFFFFFF  }
0xb6: {  	_ =	strace $0x90000048  }
0xb7: {  	_ =	sfence  }
0xb8: {  	s30 =	sld [smem:$0x0];
	_ =	sdelay $0x2  }
0xb9: {  	s31 =	sshll.u32 s1, $0xD;
	s1 =	sshrl.u32 s1, $0x2  }
0xba: {  	s3 =	sand.u32 $0x4000, s31;
	s1 =	sadd.s32 s1, s30  }
0xbb: {  	s0 =	sor.u32 s3, s0;
	s1 =	sshll.u32 s1, $0x11  }
0xbc: {  	s0 =	sor.u32 s1, s0  }
0xbd: {  	s0 =	sadd.s32 $0x8F2B, s0  }
0xbe: {  	[sflag:s0] =	ssyncadd.remote.s32 $0x1  }
0xbf: {  	_ =	sfence.sel $0xFFFF  }
0xc0: {  	[dreg:$0x0] =	wrdreg $0xFFFFFFFF;
	(pc) =	sbr.abs _section_cstart, $3  }
0xc1: {  	[dreg:$0x1] =	wrdreg $0xFFFFFFFF  }
0xc2: {  	_ =	task.clear_ibuf [dreg:s6], $0x2FFFF;
	_ =	strace $0x9FFFFFFF  }
0xc3: {  	(tm) =	ssettm $0x7FFFFFFF  }
tec
execute0_lowered:
.L_overlay_start_1:
0x0: {  	(tag) =	ssettag $0x1  }
0x1: {  	s7 =	rddreg [dreg:$0x0]  }
0x2: {  	s2 =	rddreg [dreg:$0x1]  }
0x3: {  	s0 =	stileid.u32;
	s1 =	srdreg.scid  }
0x4: {  	s3 =	rddreg [dreg:$0x2];
	s4 =	simm.s32 $0x0;
	s17 =	simm.s32 $0xA000  }
0x5: {  	s18 =	simm.s32 $0x5000;
	s19 =	simm.s32 $0x80;
	s20 =	simm.s32 $0xA080  }
0x6: {  	s21 =	simm.s32 $0xA200;
	s22 =	simm.s32 $0xA380;
	s5 =	smul.u32 $0xA00, s0  }
0x7: {  	s6 =	sand.u32 $0x1, s1;
	s1 =	rddreg [dreg:$0x3];
	s9 =	smul.u32 $0x140, s0  }
0x8: {  	s23 =	simm.s32 $0x0;
	[smem:$0x7FF] =	sst s4;
	s12 =	smul.u32 $0x280, s0  }
0x9: {  	s31 =	sshll.u32 s0, $0x6;
	s8 =	smul.u32 $0x1400, s6;
	_ =	strace $0x80000047  }
0xa: {  	s29 =	ssub.s32 $0x2, s6;
	s6 =	sadd.s32 $0x22000, s7;
	s10 =	sadd.s32 s5, s7  }
0xb: {  	s5 =	sadd.s32 $0x22200, s7;
	s30 =	sshrl.u32 s29, $0x1;
	s15 =	sadd.s32 s12, s2  }
0xc: {  	s16 =	sadd.s32 s12, s3;
	s11 =	sadd.s32 s9, s8;
	s14 =	ssub.s32 s29, s30  }
0xd: {  	s9 =	sadd.s32 $0x18000, s10;
	s16 =	sshrl.u32 s16, $0x3;
	s8 =	sshrl.u32 s11, $0x3  }
0xe: {  	s13 =	sadd.s32 s8, s7;
	s7 =	sor.u32 $0x1C01, s31;
	s8 =	sadd.s32 $0x4000, s10  }
0xf: {  	s10 =	sadd.s32 s11, s2;
	s11 =	sadd.s32 s11, s3;
	s12 =	sadd.s32 $0x22400, s13  }
0x10: {  	s13 =	smax.u32 s14, $0x1;
	s14 =	sshrl.u32 s15, $0x3;
	s15 =	simm.s32 $0x1  }
.LBB2_1:
0x11: {  	[spmem:s14], [sflag:s7] =	dma.local [hbm:s5], $0x50  }
0x12: {  	_ =	swait.ge [sflag:s15], $0x50  }
0x13: {  	[sflag:s15] =	ssyncset.done $0x0  }
0x14: {  	[sflag:s15] =	ssyncadd.s32 $0xFFFFFFB0  }
0x15: {  	[spmem:s16], [sflag:s7] =	dma.local [hbm:s5], $0x50  }
0x16: {  	_ =	swait.ge [sflag:s15], $0x50  }
0x17: {  	[sflag:s15] =	ssyncset.done $0x0  }
0x18: {  	[sflag:s15] =	ssyncadd.s32 $0xFFFFFFB0  }
0x19: {  	[tilespmem:s17], [sflag:$0x1] =	stream.linear.gather [hbm4b:s6+s4], $0x80, $0x38;
	[tilespmem:$0xAA00] =	vst v63  }
0x1a: {  	_ =	swait.ge [sflag:s15], $0x80  }
0x1b: {  	[sflag:s15] =	ssyncset.done $0x0  }
0x1c: {  	[sflag:s15] =	ssyncadd.s32 $0xFFFFFF80  }
0x1d: {  	[tilespmem:s4], [sflag:$0x1] =	stream.linear.gather [hbm4b:s8+s4], $0x5000, $0x38;
	[tilespmem:$0xAA00] =	vst v63  }
0x1e: {  	_ =	swait.ge [sflag:s15], $0x5000  }
0x1f: {  	[sflag:s15] =	ssyncset.done $0x0  }
0x20: {  	[sflag:s15] =	ssyncadd.s32 $0xFFFFB000  }
0x21: {  	[tilespmem:s18], [sflag:$0x1] =	stream.linear.gather [hbm4b:s9+s4], $0x5000, $0x38;
	[tilespmem:$0xAA00] =	vst v63  }
0x22: {  	_ =	swait.ge [sflag:s15], $0x5000  }
0x23: {  	[sflag:s15] =	ssyncset.done $0x0  }
0x24: {  	[sflag:s15] =	ssyncadd.s32 $0xFFFFB000  }
0x25: {  	s24 =	simm.s32 $0x0;
	[bflag:$0x0] =	sbarrier.arrive $0xFFFF  }
0x26: {  	[spmem:s3] =	stream.indirect.scatter.add.f32 [tilespmem:s17], [sflag:$0x1], $0x1, s24, s19, $0xb8;
	[tilespmem:$0xAA00] =	vst v63  }
0x27: {  	_ =	swait.ge [sflag:s15], $0x80  }
0x28: {  	[sflag:s15] =	ssyncset.done $0x0  }
0x29: {  	s31 =	simm.s32 $0x5000;
	[sflag:s15] =	ssyncadd.s32 $0xFFFFFF80  }
0x2a: {  	[spmem:s2] =	stream.indirect.scatter.add.f32 [tilespmem:s17], [sflag:$0x1], $0x1, s31, s19, $0xb8;
	[tilespmem:$0xAA00] =	vst v63  }
0x2b: {  	_ =	swait.ge [sflag:s15], $0x80  }
0x2c: {  	s25 =	simm.s32 $0x400;
	s24 =	simm.s32 $0x200;
	[sflag:s15] =	ssyncset.done $0x0  }
.LBB2_2:
0x2d: {  	s26 =	sshra.s32 s24, $0x2  }
0x2e: {  	[sflag:s15] =	ssyncadd.s32 $0xFFFFFF80;
	s24 =	smov.u32 s25;
	s28 =	sadd.s32 $0x200, s25  }
0x2f: {  	[spmem:s3] =	stream.indirect.scatter.add.f32 [tilespmem:s17], [sflag:$0x1], $0x1, s26, s19, $0xb8;
	[tilespmem:$0xAA00] =	vst v63  }
0x30: {  	p0 =	sne.s32 s25, $0x13E00;
	_ =	swait.ge [sflag:s15], $0x80  }
.Ltmp0:
0x31: {  	[sflag:s15] =	ssyncset.done $0x0;
	(pc) =	sbr.rel @p0 .LBB2_2-.Ltmp0, $4  }
0x32: {  	s25 =	sadd.s32 $0x5000, s26;
	[sflag:s15] =	ssyncadd.s32 $0xFFFFFF80  }
0x33: {  	[spmem:s2] =	stream.indirect.scatter.add.f32 [tilespmem:s17], [sflag:$0x1], $0x1, s25, s19, $0xb8;
	[tilespmem:$0xAA00] =	vst v63  }
0x34: {  	_ =	swait.ge [sflag:s15], $0x80  }
0x35: {  	s25 =	smov.u32 s28;
	[sflag:s15] =	ssyncset.done $0x0  }
0x36: {  	s24 =	sshra.s32 s24, $0x2;
	[sflag:s15] =	ssyncadd.s32 $0xFFFFFF80  }
0x37: {  	[spmem:s3] =	stream.indirect.scatter.add.f32 [tilespmem:s17], [sflag:$0x1], $0x1, s24, s19, $0xb8;
	[tilespmem:$0xAA00] =	vst v63  }
0x38: {  	_ =	swait.ge [sflag:s15], $0x80  }
0x39: {  	[sflag:s15] =	ssyncset.done $0x0  }
0x3a: {  	s24 =	sadd.s32 $0x5000, s24;
	[sflag:s15] =	ssyncadd.s32 $0xFFFFFF80  }
0x3b: {  	[spmem:s2] =	stream.indirect.scatter.add.f32 [tilespmem:s17], [sflag:$0x1], $0x1, s24, s19, $0xb8;
	[tilespmem:$0xAA00] =	vst v63  }
0x3c: {  	_ =	swait.ge [sflag:s15], $0x80  }
0x3d: {  	[sflag:s15] =	ssyncset.done $0x0  }
0x3e: {  	[sflag:s15] =	ssyncadd.s32 $0xFFFFFF80  }
0x3f: {  	[bflag:$0x0] =	sbarrier.arrive $0xFFFF  }
0x40: {  	[tilespmem:s20], [sflag:$0x1] =	stream.linear.gather [spmem:s10], $0x140, $0x38;
	[tilespmem:$0xAA00] =	vst v63  }
0x41: {  	_ =	swait.ge [sflag:s15], $0x140  }
0x42: {  	[sflag:s15] =	ssyncset.done $0x0  }
0x43: {  	[sflag:s15] =	ssyncadd.s32 $0xFFFFFEC0  }
0x44: {  	[tilespmem:s21], [sflag:$0x1] =	stream.linear.gather [spmem:s11], $0x140, $0x38;
	[tilespmem:$0xAA00] =	vst v63  }
0x45: {  	_ =	swait.ge [sflag:s15], $0x140  }
0x46: {  	[sflag:s15] =	ssyncset.done $0x0  }
0x47: {  	s24 =	simm.s32 $0x0;
	[sflag:s15] =	ssyncadd.s32 $0xFFFFFEC0  }
0x48: {  	v0 =	vld [tilespmem:s24+$0xA080]  }
0x49: {  	v1 =	vld [tilespmem:s24+$0xA200]  }
0x4a: {  	s25 =	simm.s32 $0x10  }
0x4b: {  	v2 =	vld [tilespmem:s25+$0xA080]  }
0x4c: {  	v3 =	vld [tilespmem:s25+$0xA200];
	_ =	sdelay $0x1  }
0x4d: {  	v0 =	vadd.f32 $1.000000000e+00, v0;
	v1 =	vadd.f32 $1.000000000e+00, v1;
	_ =	sdelay $0x1  }
0x4e: {  	v0 =	vmul.f32 v1, v0  }
0x4f: {  	v2 =	vadd.f32 $1.000000000e+00, v2;
	v3 =	vadd.f32 $1.000000000e+00, v3  }
0x50: {  	(erf) = vrcp.f32 v0  }
0x51: {  	s26 =	simm.s32 $0x20;
	v2 =	vmul.f32 v3, v2  }
0x52: {  	v1 =	vld [tilespmem:s26+$0xA200]  }
0x53: {  	v0 =	vld [tilespmem:s26+$0xA080];
	(erf) = vrcp.f32 v2;
	_ =	sdelay $0x2  }
0x54: {  	s28 =	simm.s32 $0xC0  }
.LBB2_4:
0x55: {  	s29 =	sshra.s32 s28, $0x2;
	p0 =	sne.s32 s28, $0x4C0  }
.Ltmp1:
0x56: {  	s28 =	sadd.s32 $0x40, s28;
	v2 =	vadd.f32 $1.000000000e+00, v0;
	v0 =	vld [tilespmem:s29+$0xA080];
	v3 =	vadd.f32 $1.000000000e+00, v1;
	(pc) =	sbr.rel @p0 .LBB2_4-.Ltmp1, $4  }
0x57: {  	v1 =	vld [tilespmem:s29+$0xA200];
	v4 =	vpop (erf)  }
0x58: {  	v2 =	vmul.f32 v3, v2;
	[tilespmem:s24+$0xA380] =	vst v4;
	s24 =	smov.u32 s25;
	s25 =	smov.u32 s26;
	s26 =	smov.u32 s29  }
0x59: {  	_ = 	snop  }
0x5a: {  	(erf) = vrcp.f32 v2  }
0x5b: {  	_ = 	snop  }
0x5c: {  	v0 =	vadd.f32 $1.000000000e+00, v0;
	v1 =	vadd.f32 $1.000000000e+00, v1;
	_ =	sdelay $0x1  }
0x5d: {  	v0 =	vmul.f32 v1, v0;
	_ =	sdelay $0x1  }
0x5e: {  	(erf) = vrcp.f32 v0;
	_ =	sdelay $0x6  }
0x5f: {  	v61 =	vpop (erf)  }
0x60: {  	s23 =	sadd.s32 $0x1, s23;
	[tilespmem:s24+$0xA380] =	vst v61;
	v62 =	vpop (erf)  }
0x61: {  	p0 =	sne.s32 s23, s13;
	[tilespmem:s25+$0xA380] =	vst v62;
	v63 =	vpop (erf)  }
.Ltmp2:
0x62: {  	[tilespmem:s26+$0xA380] =	vst v63;
	(pc) =	sbr.rel @p0 .LBB2_1-.Ltmp2, $4  }
0x63: {  	[hbm4b:s12+s4] =	stream.linear.scatter [tilespmem:s22], [sflag:$0x1], $0x140, $0x38;
	[tilespmem:$0xAA00] =	vst v63  }
0x64: {  	_ =	swait.ge [sflag:s15], $0x140  }
0x65: {  	[sflag:s15] =	ssyncset.done $0x0  }
0x66: {  	[sflag:s15] =	ssyncadd.s32 $0xFFFFFEC0  }
0x67: {  	_ =	sfence.sel $0x180000  }
0x68: {  	[bflag:$0x0] =	sbarrier.arrive $0xFFFF  }
0x69: {  	p0 =	sne.s32 s0, $0x0;
	_ =	strace $0x90000047  }
0x6a: {  	s0 =	sadd.s32 @!p0 $0x100000, s1;
	[bflag:$0x2] =	sbarrier.arrive $0xFFFF  }
0x6b: {  	[sflag:s0] =	ssyncadd.tile.s32 @!p0 $0x1;
	_ =	shalt  }
.Lfunc_end2:
_tile_overlayer_lowered:
.L_overlay_start_2:
0x6c: {  	(tag) =	ssettag $0x2  }
0x6d: {  	s0 =	rddreg [dreg:$0x0];
	s2 =	stileid.u32  }
0x6e: {  	s1 =	rddreg [dreg:$0x1];
	p0 =	sne.s32 s2, $0x0  }
0x6f: {  	s3 =	rddreg [dreg:$0x2];
	[bflag:$0x3] =	sbarrier.arrive $0xFFFF;
	s2 =	simm.s32 @!p0 $0x1C01  }
0x70: {  	[timem:s3], [sflag:s2] =	dma.local @!p0 [hbm:s0], s1  }
0x71: {  	s0 =	simm.s32 @!p0 $0x1  }
0x72: {  	_ =	swait.ge @!p0 [sflag:s0], s1  }
0x73: {  	s1 =	ssub.s32 @!p0 $0x0, s1;
	[sflag:s0] =	ssyncset.done @!p0 $0x0  }
0x74: {  	[sflag:s0] =	ssyncadd.s32 @!p0 s1  }
0x75: {  	[bflag:$0x3] =	sbarrier.arrive $0xFFFF  }
0x76: {  	_ =	shalt  }

</sc_bundles>
